<compile_context>
chip_gen: v7x
topology: tpu7x:2x2x1
jax: 0.10.2.dev20260603
libtpu: 0.0.44.dev20260713+nightly
codegen_flags: <defaults>
</compile_context>

<pallas_src>
import functools

import jax
import jax.numpy as jnp
from jax import lax
from jax.experimental import pallas as pl
from jax.experimental.pallas import tpu as pltpu
from jax.experimental.pallas import tpu_sc as plsc

CODEBOOK_SIZE = 8192
LATENT_DIM = 256
COMMITMENT_COST = 0.25

_KB = 2048
_NL = 128


def _argmin_body(z_ref, e_ref, ids_ref, loss_ref, en_ref, e2_ref):
    t = pl.program_id(0)
    nt = pl.num_programs(0)
    tb = z_ref.shape[0]
    z = z_ref[...]
    zn = jnp.sum(z * z, axis=1, keepdims=True)

    @pl.when(t == 0)
    def _en():
        for kb in range(CODEBOOK_SIZE // _KB):
            e = e_ref[pl.ds(kb * _KB, _KB), :]
            en_ref[0, pl.ds(kb * _KB, _KB)] = jnp.sum(e * e, axis=1)
            e2_ref[pl.ds(kb * _KB, _KB), :] = e + e

    def _dot(kb):
        e2 = e2_ref[pl.ds(kb * _KB, _KB), :]
        return lax.dot_general(z, e2, (((1,), (1,)), ((), ())),
                               preferred_element_type=jnp.float32)

    run_val = jnp.full((tb, _NL), jnp.inf, dtype=jnp.float32)
    run_vid = jnp.zeros((tb, _NL), dtype=jnp.int32)
    n_kb = CODEBOOK_SIZE // _KB
    zw2 = _dot(0)
    for kb in range(n_kb):
        zw2_next = _dot(kb + 1) if kb + 1 < n_kb else None
        for v in range(_KB // _NL):
            vg = kb * (_KB // _NL) + v
            ken = kb * _KB + v * _NL
            en = en_ref[0, ken:ken + _NL]
            sl = (zn + en[None, :]) - zw2[:, v * _NL:(v + 1) * _NL]
            lt = sl < run_val
            run_val = jnp.where(lt, sl, run_val)
            run_vid = jnp.where(lt, vg, run_vid)
        zw2 = zw2_next

    m = jnp.min(run_val, axis=1, keepdims=True)
    kidx = run_vid * _NL + lax.broadcasted_iota(jnp.int32, (tb, _NL), 1)
    pick = jnp.where(run_val == m, kidx, CODEBOOK_SIZE)
    idx = jnp.min(pick, axis=1)
    ids_ref[...] = idx.reshape(1, 1, tb)

    part = jnp.sum(m).reshape(1, 1)

    @pl.when(t == 0)
    def _init():
        loss_ref[...] = jnp.zeros((1, 1), jnp.float32)

    loss_ref[...] += part

    @pl.when(t == nt - 1)
    def _fin():
        n_elems = jnp.float32(nt * tb * LATENT_DIM)
        loss_ref[...] = loss_ref[...] * ((1.0 + COMMITMENT_COST) / n_elems)


def _tc_argmin(z_flat, embedding, tb):
    n_tok, d_dim = z_flat.shape
    nt = n_tok // tb
    return pl.pallas_call(
        _argmin_body,
        grid=(nt,),
        in_specs=[
            pl.BlockSpec((tb, d_dim), lambda i: (i, 0)),
            pl.BlockSpec((CODEBOOK_SIZE, d_dim), lambda i: (0, 0)),
        ],
        out_specs=[
            pl.BlockSpec((1, 1, tb), lambda i: (i, 0, 0)),
            pl.BlockSpec((1, 1), lambda i: (0, 0)),
        ],
        out_shape=[
            jax.ShapeDtypeStruct((nt, 1, tb), jnp.int32),
            jax.ShapeDtypeStruct((1, 1), jnp.float32),
        ],
        scratch_shapes=[
            pltpu.VMEM((1, CODEBOOK_SIZE), jnp.float32),
            pltpu.VMEM((CODEBOOK_SIZE, d_dim), jnp.float32),
        ],
    )(z_flat, embedding)


def _sc_gather(embedding, ids_flat):
    n_tok = ids_flat.shape[0]
    d_dim = embedding.shape[1]
    info = plsc.get_sparse_core_info()
    nc, ns = info.num_cores, info.num_subcores
    nw = nc * ns
    b_per_w = n_tok // nw
    n_chunks = 2
    chunk = b_per_w // n_chunks
    mesh = plsc.VectorSubcoreMesh(core_axis_name="c", subcore_axis_name="s")

    @functools.partial(
        pl.kernel,
        mesh=mesh,
        out_type=jax.ShapeDtypeStruct((n_tok, d_dim), jnp.float32),
        scratch_types=[
            pltpu.VMEM((chunk,), jnp.int32),
            pltpu.VMEM((chunk, d_dim), jnp.float32),
            pltpu.VMEM((chunk,), jnp.int32),
            pltpu.VMEM((chunk, d_dim), jnp.float32),
            pltpu.SemaphoreType.DMA,
            pltpu.SemaphoreType.DMA,
        ],
    )
    def gather_kernel(emb_hbm, idx_hbm, out_hbm,
                      idx_a, rows_a, idx_b, rows_b, sem_a, sem_b):
        wid = lax.axis_index("s") * nc + lax.axis_index("c")
        base = wid * b_per_w
        pltpu.sync_copy(idx_hbm.at[pl.ds(base, chunk)], idx_a)
        pltpu.sync_copy(idx_hbm.at[pl.ds(base + chunk, chunk)], idx_b)
        cp_a = pltpu.async_copy(emb_hbm.at[idx_a], rows_a, sem_a)
        cp_b = pltpu.async_copy(emb_hbm.at[idx_b], rows_b, sem_b)
        cp_a.wait()
        pltpu.sync_copy(rows_a, out_hbm.at[pl.ds(base, chunk)])
        cp_b.wait()
        pltpu.sync_copy(rows_b, out_hbm.at[pl.ds(base + chunk, chunk)])

    return gather_kernel(embedding, ids_flat)


def kernel(z, embedding):
    b, d_dim, t = z.shape
    z_flat = jnp.transpose(z, (0, 2, 1)).reshape(b * t, d_dim)
    ids_3d, loss_arr = _tc_argmin(z_flat, embedding, t)
    ids_flat = ids_3d.reshape(b * t)
    zq_flat = _sc_gather(embedding, ids_flat)
    z_q = jnp.transpose(zq_flat.reshape(b, t, d_dim), (0, 2, 1))
    return (z_q, ids_flat.reshape(b, t), loss_arr[0, 0])

# --- scband reference (transcript-rebuilt; emitter-appended) ---
"""Pipeline reference for scband-vqcodebook-5068061409454 (READ-ONLY COPY).

The authoritative reference and input builder live on the scoring server;
editing this copy changes nothing except your own understanding.
"""

import jax, jax.numpy as jnp
import numpy as np

CODEBOOK_SIZE = 8192
LATENT_DIM = 256
COMMITMENT_COST = 0.25


def setup_inputs(seed: int = 0) -> dict:
    key = jax.random.key(seed)
    k1, k2 = jax.random.split(key)
    z = jax.random.normal(k1, (8, LATENT_DIM, 576), dtype=jnp.float32)
    embedding = jax.random.uniform(
        k2, (CODEBOOK_SIZE, LATENT_DIM),
        minval=-1.0 / CODEBOOK_SIZE, maxval=1.0 / CODEBOOK_SIZE,
        dtype=jnp.float32)
    return {"z": z, "embedding": embedding}


def reference(z, embedding):
    B, D, T = z.shape
    # (B, D, T) -> (B*T, D)
    z_flat = jnp.transpose(z, (0, 2, 1)).reshape(-1, D)
    # Squared L2 distances to every codebook entry: (B*T, K)
    d = (jnp.sum(z_flat ** 2, axis=1, keepdims=True)
         + jnp.sum(embedding ** 2, axis=1)
         - 2.0 * (z_flat @ embedding.T))
    token_ids_flat = jnp.argmin(d, axis=1)
    # Codebook lookup (gather)
    z_q_flat = jnp.take(embedding, token_ids_flat, axis=0)
    # VQ losses (eval mode: no EMA update)
    commitment_loss = jnp.mean((z_flat - jax.lax.stop_gradient(z_q_flat)) ** 2)
    codebook_loss = jnp.mean((z_q_flat - jax.lax.stop_gradient(z_flat)) ** 2)
    vq_loss = codebook_loss + COMMITMENT_COST * commitment_loss
    # Straight-through estimator
    z_q_st = z_flat + jax.lax.stop_gradient(z_q_flat - z_flat)
    z_q = jnp.transpose(z_q_st.reshape(B, T, D), (0, 2, 1))
    token_ids = token_ids_flat.reshape(B, T)
    return (z_q, token_ids, vq_loss)

if __name__ == "__main__":
    import jax
    _d = setup_inputs()
    print(jax.jit(kernel)(*tuple(_d.values())))

</pallas_src>

<mosaic_0001>
#map = affine_map<(d0, d1) -> (0, 0)>
#map1 = affine_map<(d0, d1) -> (0)>
module attributes {stable_mosaic.version = 14 : i64} {
  func.func @gather_kernel(%arg0: i32, %arg1: i32, %arg2: memref<8192x256xf32, #tpu.memory_space<hbm>>, %arg3: memref<4608xi32, #tpu.memory_space<hbm>>, %arg4: memref<4608x256xf32, #tpu.memory_space<hbm>>, %arg5: memref<72xi32, #tpu.memory_space<vmem>>, %arg6: memref<72x256xf32, #tpu.memory_space<vmem>>, %arg7: memref<72xi32, #tpu.memory_space<vmem>>, %arg8: memref<72x256xf32, #tpu.memory_space<vmem>>, %arg9: memref<!tpu.dma_semaphore, #tpu.memory_space<semaphore_mem>>, %arg10: memref<!tpu.dma_semaphore, #tpu.memory_space<semaphore_mem>>) attributes {dimension_semantics = [#tpu.dimension_semantics<core_parallel>, #tpu.dimension_semantics<subcore_parallel>], iteration_bounds = array<i64: 2, 16>, scalar_prefetch = 0 : i64, scratch_operands = 6 : i64, tpu.core_type = #tpu.core_type<sc_vector_subcore>, window_params = [{transform_indices = #map}, {transform_indices = #map1}, {transform_indices = #map}]} {
    %mul3A = arith.constant 2 : i32
    %mul3A_0 = arith.muli %arg1, %mul3A : i32
    %add3A = arith.addi %mul3A_0, %arg0 : i32
    %mul3A_1 = arith.constant 144 : i32
    %mul3A_2 = arith.muli %add3A, %mul3A_1 : i32
    "tpu.region"() ({
      %run_scoped3A = tpu.sem_alloc : memref<!tpu.dma_semaphore, #tpu.memory_space<semaphore_mem>>
      %dma_start3A_17 = tpu.memref_slice %arg3[%mul3A_2] : memref<4608xi32, #tpu.memory_space<hbm>> -> memref<72xi32, #tpu.memory_space<hbm>>
      %dma_start3A_18 = tpu.memref_slice %arg3[%mul3A_2] : memref<4608xi32, #tpu.memory_space<hbm>> -> memref<72xi32, #tpu.memory_space<hbm>>
      tpu.enqueue_dma source(%dma_start3A_18 : memref<72xi32, #tpu.memory_space<hbm>>) target(%arg5 : memref<72xi32, #tpu.memory_space<vmem>>) target_semaphore(%run_scoped3A : memref<!tpu.dma_semaphore, #tpu.memory_space<semaphore_mem>>)
      %dma_wait3A_19 = tpu.memref_slice %arg3[%mul3A_2] : memref<4608xi32, #tpu.memory_space<hbm>> -> memref<72xi32, #tpu.memory_space<hbm>>
      %dma_wait3A_20 = tpu.memref_slice %arg3[%mul3A_2] : memref<4608xi32, #tpu.memory_space<hbm>> -> memref<72xi32, #tpu.memory_space<hbm>>
      tpu.wait_dma2 semaphore(%run_scoped3A : memref<!tpu.dma_semaphore, #tpu.memory_space<semaphore_mem>>) src(%dma_wait3A_20 : memref<72xi32, #tpu.memory_space<hbm>>) dst(%arg5 : memref<72xi32, #tpu.memory_space<vmem>>)
      tpu.yield
    }) : () -> ()
    %add3A_3 = arith.constant 72 : i32
    %add3A_4 = arith.addi %mul3A_2, %add3A_3 : i32
    "tpu.region"() ({
      %run_scoped3A = tpu.sem_alloc : memref<!tpu.dma_semaphore, #tpu.memory_space<semaphore_mem>>
      %dma_start3A_17 = tpu.memref_slice %arg3[%add3A_4] : memref<4608xi32, #tpu.memory_space<hbm>> -> memref<72xi32, #tpu.memory_space<hbm>>
      %dma_start3A_18 = tpu.memref_slice %arg3[%add3A_4] : memref<4608xi32, #tpu.memory_space<hbm>> -> memref<72xi32, #tpu.memory_space<hbm>>
      tpu.enqueue_dma source(%dma_start3A_18 : memref<72xi32, #tpu.memory_space<hbm>>) target(%arg7 : memref<72xi32, #tpu.memory_space<vmem>>) target_semaphore(%run_scoped3A : memref<!tpu.dma_semaphore, #tpu.memory_space<semaphore_mem>>)
      %dma_wait3A_19 = tpu.memref_slice %arg3[%add3A_4] : memref<4608xi32, #tpu.memory_space<hbm>> -> memref<72xi32, #tpu.memory_space<hbm>>
      %dma_wait3A_20 = tpu.memref_slice %arg3[%add3A_4] : memref<4608xi32, #tpu.memory_space<hbm>> -> memref<72xi32, #tpu.memory_space<hbm>>
      tpu.wait_dma2 semaphore(%run_scoped3A : memref<!tpu.dma_semaphore, #tpu.memory_space<semaphore_mem>>) src(%dma_wait3A_20 : memref<72xi32, #tpu.memory_space<hbm>>) dst(%arg7 : memref<72xi32, #tpu.memory_space<vmem>>)
      tpu.yield
    }) : () -> ()
    %dma_start3A = arith.constant 0 : i32
    %dma_start3A_5 = arith.constant 0 : i32
    %dma_start3A_6 = tpu.memref_slice %arg2[%dma_start3A, %dma_start3A_5] : memref<8192x256xf32, #tpu.memory_space<hbm>> -> memref<8192x256xf32, #tpu.memory_space<hbm>>
    tpu.enqueue_indirect_dma source(%dma_start3A_6 : memref<8192x256xf32, #tpu.memory_space<hbm>>) target(%arg6 : memref<72x256xf32, #tpu.memory_space<vmem>>) offsets(%arg5 : memref<72xi32, #tpu.memory_space<vmem>>) semaphore(%arg9 : memref<!tpu.dma_semaphore, #tpu.memory_space<semaphore_mem>>)
    %dma_start3A_7 = arith.constant 0 : i32
    %dma_start3A_8 = arith.constant 0 : i32
    %dma_start3A_9 = tpu.memref_slice %arg2[%dma_start3A_7, %dma_start3A_8] : memref<8192x256xf32, #tpu.memory_space<hbm>> -> memref<8192x256xf32, #tpu.memory_space<hbm>>
    tpu.enqueue_indirect_dma source(%dma_start3A_9 : memref<8192x256xf32, #tpu.memory_space<hbm>>) target(%arg8 : memref<72x256xf32, #tpu.memory_space<vmem>>) offsets(%arg7 : memref<72xi32, #tpu.memory_space<vmem>>) semaphore(%arg10 : memref<!tpu.dma_semaphore, #tpu.memory_space<semaphore_mem>>)
    %dma_wait3A = arith.constant 0 : i32
    %dma_wait3A_10 = arith.constant 0 : i32
    %dma_wait3A_11 = tpu.memref_slice %arg2[%dma_wait3A, %dma_wait3A_10] : memref<8192x256xf32, #tpu.memory_space<hbm>> -> memref<8192x256xf32, #tpu.memory_space<hbm>>
    tpu.wait_indirect_dma semaphore(%arg9 : memref<!tpu.dma_semaphore, #tpu.memory_space<semaphore_mem>>) src(%dma_wait3A_11 : memref<8192x256xf32, #tpu.memory_space<hbm>>) dst(%arg6 : memref<72x256xf32, #tpu.memory_space<vmem>>)
    "tpu.region"() ({
      %run_scoped3A = tpu.sem_alloc : memref<!tpu.dma_semaphore, #tpu.memory_space<semaphore_mem>>
      %dma_start3A_17 = arith.constant 0 : i32
      %dma_start3A_18 = tpu.memref_slice %arg4[%mul3A_2, %dma_start3A_17] : memref<4608x256xf32, #tpu.memory_space<hbm>> -> memref<72x256xf32, #tpu.memory_space<hbm>>
      %dma_start3A_19 = arith.constant 0 : i32
      %dma_start3A_20 = tpu.memref_slice %arg4[%mul3A_2, %dma_start3A_19] : memref<4608x256xf32, #tpu.memory_space<hbm>> -> memref<72x256xf32, #tpu.memory_space<hbm>>
      tpu.enqueue_dma source(%arg6 : memref<72x256xf32, #tpu.memory_space<vmem>>) target(%dma_start3A_20 : memref<72x256xf32, #tpu.memory_space<hbm>>) target_semaphore(%run_scoped3A : memref<!tpu.dma_semaphore, #tpu.memory_space<semaphore_mem>>)
      %dma_wait3A_21 = arith.constant 0 : i32
      %dma_wait3A_22 = tpu.memref_slice %arg4[%mul3A_2, %dma_wait3A_21] : memref<4608x256xf32, #tpu.memory_space<hbm>> -> memref<72x256xf32, #tpu.memory_space<hbm>>
      %dma_wait3A_23 = arith.constant 0 : i32
      %dma_wait3A_24 = tpu.memref_slice %arg4[%mul3A_2, %dma_wait3A_23] : memref<4608x256xf32, #tpu.memory_space<hbm>> -> memref<72x256xf32, #tpu.memory_space<hbm>>
      tpu.wait_dma2 semaphore(%run_scoped3A : memref<!tpu.dma_semaphore, #tpu.memory_space<semaphore_mem>>) src(%arg6 : memref<72x256xf32, #tpu.memory_space<vmem>>) dst(%dma_wait3A_24 : memref<72x256xf32, #tpu.memory_space<hbm>>)
      tpu.yield
    }) : () -> ()
    %dma_wait3A_12 = arith.constant 0 : i32
    %dma_wait3A_13 = arith.constant 0 : i32
    %dma_wait3A_14 = tpu.memref_slice %arg2[%dma_wait3A_12, %dma_wait3A_13] : memref<8192x256xf32, #tpu.memory_space<hbm>> -> memref<8192x256xf32, #tpu.memory_space<hbm>>
    tpu.wait_indirect_dma semaphore(%arg10 : memref<!tpu.dma_semaphore, #tpu.memory_space<semaphore_mem>>) src(%dma_wait3A_14 : memref<8192x256xf32, #tpu.memory_space<hbm>>) dst(%arg8 : memref<72x256xf32, #tpu.memory_space<vmem>>)
    %add3A_15 = arith.constant 72 : i32
    %add3A_16 = arith.addi %mul3A_2, %add3A_15 : i32
    "tpu.region"() ({
      %run_scoped3A = tpu.sem_alloc : memref<!tpu.dma_semaphore, #tpu.memory_space<semaphore_mem>>
      %dma_start3A_17 = arith.constant 0 : i32
      %dma_start3A_18 = tpu.memref_slice %arg4[%add3A_16, %dma_start3A_17] : memref<4608x256xf32, #tpu.memory_space<hbm>> -> memref<72x256xf32, #tpu.memory_space<hbm>>
      %dma_start3A_19 = arith.constant 0 : i32
      %dma_start3A_20 = tpu.memref_slice %arg4[%add3A_16, %dma_start3A_19] : memref<4608x256xf32, #tpu.memory_space<hbm>> -> memref<72x256xf32, #tpu.memory_space<hbm>>
      tpu.enqueue_dma source(%arg8 : memref<72x256xf32, #tpu.memory_space<vmem>>) target(%dma_start3A_20 : memref<72x256xf32, #tpu.memory_space<hbm>>) target_semaphore(%run_scoped3A : memref<!tpu.dma_semaphore, #tpu.memory_space<semaphore_mem>>)
      %dma_wait3A_21 = arith.constant 0 : i32
      %dma_wait3A_22 = tpu.memref_slice %arg4[%add3A_16, %dma_wait3A_21] : memref<4608x256xf32, #tpu.memory_space<hbm>> -> memref<72x256xf32, #tpu.memory_space<hbm>>
      %dma_wait3A_23 = arith.constant 0 : i32
      %dma_wait3A_24 = tpu.memref_slice %arg4[%add3A_16, %dma_wait3A_23] : memref<4608x256xf32, #tpu.memory_space<hbm>> -> memref<72x256xf32, #tpu.memory_space<hbm>>
      tpu.wait_dma2 semaphore(%run_scoped3A : memref<!tpu.dma_semaphore, #tpu.memory_space<semaphore_mem>>) src(%arg8 : memref<72x256xf32, #tpu.memory_space<vmem>>) dst(%dma_wait3A_24 : memref<72x256xf32, #tpu.memory_space<hbm>>)
      tpu.yield
    }) : () -> ()
    return
  }
}

module attributes {stable_mosaic.version = 14 : i64} {
  func.func @_argmin_body(%arg0: i32, %arg1: memref<576x256xf32, #tpu.memory_space<vmem>>, %arg2: memref<8192x256xf32, #tpu.memory_space<vmem>>, %arg3: memref<1x1x576xi32, #tpu.memory_space<vmem>>, %arg4: memref<1x1xf32, #tpu.memory_space<vmem>>, %arg5: memref<1x8192xf32, #tpu.memory_space<vmem>>, %arg6: memref<8192x256xf32, #tpu.memory_space<vmem>>) attributes {dimension_semantics = [#tpu.dimension_semantics<arbitrary>], iteration_bounds = array<i64: 8>, scalar_prefetch = 0 : i64, scratch_operands = 2 : i64, tpu.core_type = #tpu.core_type<tc>, window_params = [{transform_indices = @transform_0, window_bounds = array<i64: 576, 256>}, {pipeline_mode = #tpu.pipeline_mode<synchronous>, transform_indices = @transform_1, window_bounds = array<i64: 8192, 256>}, {transform_indices = @transform_2, window_bounds = array<i64: 1, 1, 576>}, {pipeline_mode = #tpu.pipeline_mode<synchronous>, transform_indices = @transform_3, window_bounds = array<i64: 1, 1>}]} {
    %get3A = arith.constant 0 : index
    %get3A_0 = arith.constant 0 : index
    %get3A_1 = vector.load %arg1[%get3A, %get3A_0] : memref<576x256xf32, #tpu.memory_space<vmem>>, vector<576x256xf32>
    %mul3A = arith.mulf %get3A_1, %get3A_1 : vector<576x256xf32>
    %reduce_sum3A = arith.constant dense<0.000000e+00> : vector<576xf32>
    %reduce_sum3A_2 = vector.multi_reduction <add>, %mul3A, %reduce_sum3A [1] : vector<576x256xf32> to vector<576xf32>
    %broadcast_in_dim3A = vector.shape_cast %reduce_sum3A_2 : vector<576xf32> to vector<576x1xf32>
    %eq3A = arith.constant 0 : i32
    %eq3A_3 = arith.cmpi eq, %arg0, %eq3A : i32
    %convert_element_type3A = arith.extui %eq3A_3 : i1 to i32
    %cond3A = arith.constant 0 : i32
    %cond3A_4 = arith.cmpi ne, %convert_element_type3A, %cond3A : i32
    scf.if %cond3A_4 {
      %get3A_1021 = arith.constant 0 : index
      %get3A_1022 = arith.constant 0 : index
      %get3A_1023 = vector.load %arg2[%get3A_1021, %get3A_1022] : memref<8192x256xf32, #tpu.memory_space<vmem>>, vector<2048x256xf32>
      %mul3A_1024 = arith.mulf %get3A_1023, %get3A_1023 : vector<2048x256xf32>
      %reduce_sum3A_1025 = arith.constant dense<0.000000e+00> : vector<2048xf32>
      %reduce_sum3A_1026 = vector.multi_reduction <add>, %mul3A_1024, %reduce_sum3A_1025 [1] : vector<2048x256xf32> to vector<2048xf32>
      %swap3A_1027 = arith.constant 0 : index
      %swap3A_1028 = arith.constant 0 : index
      %swap3A_1029 = vector.load %arg5[%swap3A_1027, %swap3A_1028] : memref<1x8192xf32, #tpu.memory_space<vmem>>, vector<1x2048xf32>
      %swap3A_1030 = vector.shape_cast %swap3A_1029 : vector<1x2048xf32> to vector<2048xf32>
      %swap3A_1031 = vector.shape_cast %reduce_sum3A_1026 : vector<2048xf32> to vector<1x2048xf32>
      tpu.vector_store %arg5[%swap3A_1027, %swap3A_1028], %swap3A_1031 {strides = array<i32>} : memref<1x8192xf32, #tpu.memory_space<vmem>>, vector<1x2048xf32>,
      %add3A_1032 = arith.addf %get3A_1023, %get3A_1023 : vector<2048x256xf32>
      %swap3A_1033 = arith.constant 0 : index
      %swap3A_1034 = arith.constant 0 : index
      %swap3A_1035 = vector.load %arg6[%swap3A_1033, %swap3A_1034] : memref<8192x256xf32, #tpu.memory_space<vmem>>, vector<2048x256xf32>
      tpu.vector_store %arg6[%swap3A_1033, %swap3A_1034], %add3A_1032 {strides = array<i32>} : memref<8192x256xf32, #tpu.memory_space<vmem>>, vector<2048x256xf32>,
      %get3A_1036 = arith.constant 2048 : index
      %get3A_1037 = arith.constant 0 : index
      %get3A_1038 = vector.load %arg2[%get3A_1036, %get3A_1037] : memref<8192x256xf32, #tpu.memory_space<vmem>>, vector<2048x256xf32>
      %mul3A_1039 = arith.mulf %get3A_1038, %get3A_1038 : vector<2048x256xf32>
      %reduce_sum3A_1040 = arith.constant dense<0.000000e+00> : vector<2048xf32>
      %reduce_sum3A_1041 = vector.multi_reduction <add>, %mul3A_1039, %reduce_sum3A_1040 [1] : vector<2048x256xf32> to vector<2048xf32>
      %swap3A_1042 = arith.constant 0 : index
      %swap3A_1043 = arith.constant 2048 : index
      %swap3A_1044 = vector.load %arg5[%swap3A_1042, %swap3A_1043] : memref<1x8192xf32, #tpu.memory_space<vmem>>, vector<1x2048xf32>
      %swap3A_1045 = vector.shape_cast %swap3A_1044 : vector<1x2048xf32> to vector<2048xf32>
      %swap3A_1046 = vector.shape_cast %reduce_sum3A_1041 : vector<2048xf32> to vector<1x2048xf32>
      tpu.vector_store %arg5[%swap3A_1042, %swap3A_1043], %swap3A_1046 {strides = array<i32>} : memref<1x8192xf32, #tpu.memory_space<vmem>>, vector<1x2048xf32>,
      %add3A_1047 = arith.addf %get3A_1038, %get3A_1038 : vector<2048x256xf32>
      %swap3A_1048 = arith.constant 2048 : index
      %swap3A_1049 = arith.constant 0 : index
      %swap3A_1050 = vector.load %arg6[%swap3A_1048, %swap3A_1049] : memref<8192x256xf32, #tpu.memory_space<vmem>>, vector<2048x256xf32>
      tpu.vector_store %arg6[%swap3A_1048, %swap3A_1049], %add3A_1047 {strides = array<i32>} : memref<8192x256xf32, #tpu.memory_space<vmem>>, vector<2048x256xf32>,
      %get3A_1051 = arith.constant 4096 : index
      %get3A_1052 = arith.constant 0 : index
      %get3A_1053 = vector.load %arg2[%get3A_1051, %get3A_1052] : memref<8192x256xf32, #tpu.memory_space<vmem>>, vector<2048x256xf32>
      %mul3A_1054 = arith.mulf %get3A_1053, %get3A_1053 : vector<2048x256xf32>
      %reduce_sum3A_1055 = arith.constant dense<0.000000e+00> : vector<2048xf32>
      %reduce_sum3A_1056 = vector.multi_reduction <add>, %mul3A_1054, %reduce_sum3A_1055 [1] : vector<2048x256xf32> to vector<2048xf32>
      %swap3A_1057 = arith.constant 0 : index
      %swap3A_1058 = arith.constant 4096 : index
      %swap3A_1059 = vector.load %arg5[%swap3A_1057, %swap3A_1058] : memref<1x8192xf32, #tpu.memory_space<vmem>>, vector<1x2048xf32>
      %swap3A_1060 = vector.shape_cast %swap3A_1059 : vector<1x2048xf32> to vector<2048xf32>
      %swap3A_1061 = vector.shape_cast %reduce_sum3A_1056 : vector<2048xf32> to vector<1x2048xf32>
      tpu.vector_store %arg5[%swap3A_1057, %swap3A_1058], %swap3A_1061 {strides = array<i32>} : memref<1x8192xf32, #tpu.memory_space<vmem>>, vector<1x2048xf32>,
      %add3A_1062 = arith.addf %get3A_1053, %get3A_1053 : vector<2048x256xf32>
      %swap3A_1063 = arith.constant 4096 : index
      %swap3A_1064 = arith.constant 0 : index
      %swap3A_1065 = vector.load %arg6[%swap3A_1063, %swap3A_1064] : memref<8192x256xf32, #tpu.memory_space<vmem>>, vector<2048x256xf32>
      tpu.vector_store %arg6[%swap3A_1063, %swap3A_1064], %add3A_1062 {strides = array<i32>} : memref<8192x256xf32, #tpu.memory_space<vmem>>, vector<2048x256xf32>,
      %get3A_1066 = arith.constant 6144 : index
      %get3A_1067 = arith.constant 0 : index
      %get3A_1068 = vector.load %arg2[%get3A_1066, %get3A_1067] : memref<8192x256xf32, #tpu.memory_space<vmem>>, vector<2048x256xf32>
      %mul3A_1069 = arith.mulf %get3A_1068, %get3A_1068 : vector<2048x256xf32>
      %reduce_sum3A_1070 = arith.constant dense<0.000000e+00> : vector<2048xf32>
      %reduce_sum3A_1071 = vector.multi_reduction <add>, %mul3A_1069, %reduce_sum3A_1070 [1] : vector<2048x256xf32> to vector<2048xf32>
      %swap3A_1072 = arith.constant 0 : index
      %swap3A_1073 = arith.constant 6144 : index
      %swap3A_1074 = vector.load %arg5[%swap3A_1072, %swap3A_1073] : memref<1x8192xf32, #tpu.memory_space<vmem>>, vector<1x2048xf32>
      %swap3A_1075 = vector.shape_cast %swap3A_1074 : vector<1x2048xf32> to vector<2048xf32>
      %swap3A_1076 = vector.shape_cast %reduce_sum3A_1071 : vector<2048xf32> to vector<1x2048xf32>
      tpu.vector_store %arg5[%swap3A_1072, %swap3A_1073], %swap3A_1076 {strides = array<i32>} : memref<1x8192xf32, #tpu.memory_space<vmem>>, vector<1x2048xf32>,
      %add3A_1077 = arith.addf %get3A_1068, %get3A_1068 : vector<2048x256xf32>
      %swap3A_1078 = arith.constant 6144 : index
      %swap3A_1079 = arith.constant 0 : index
      %swap3A_1080 = vector.load %arg6[%swap3A_1078, %swap3A_1079] : memref<8192x256xf32, #tpu.memory_space<vmem>>, vector<2048x256xf32>
      tpu.vector_store %arg6[%swap3A_1078, %swap3A_1079], %add3A_1077 {strides = array<i32>} : memref<8192x256xf32, #tpu.memory_space<vmem>>, vector<2048x256xf32>,
    } else {
    }
    %broadcast_in_dim3A_5 = arith.constant 0x7F800000 : f32
    %broadcast_in_dim3A_6 = vector.broadcast %broadcast_in_dim3A_5 : f32 to vector<576x128xf32>
    %broadcast_in_dim3A_7 = arith.constant 0 : i32
    %broadcast_in_dim3A_8 = vector.broadcast %broadcast_in_dim3A_7 : i32 to vector<576x128xi32>
    %get3A_9 = arith.constant 0 : index
    %get3A_10 = arith.constant 0 : index
    %get3A_11 = vector.load %arg6[%get3A_9, %get3A_10] : memref<8192x256xf32, #tpu.memory_space<vmem>>, vector<2048x256xf32>
    %dot_general3A = arith.constant dense<0.000000e+00> : vector<576x2048xf32>
    %dot_general3A_12 = tpu.matmul %get3A_1, %get3A_11, %dot_general3A {dimension_numbers = #tpu.dot_dimension_numbers<[1], [1], [0], [0], [0, 0, 1, 0], [], []>, transpose_lhs_hint = false} : vector<576x256xf32>, vector<2048x256xf32>, vector<576x2048xf32> -> vector<576x2048xf32>
    %get3A_13 = arith.constant 2048 : index
    %get3A_14 = arith.constant 0 : index
    %get3A_15 = vector.load %arg6[%get3A_13, %get3A_14] : memref<8192x256xf32, #tpu.memory_space<vmem>>, vector<2048x256xf32>
    %dot_general3A_16 = arith.constant dense<0.000000e+00> : vector<576x2048xf32>
    %dot_general3A_17 = tpu.matmul %get3A_1, %get3A_15, %dot_general3A_16 {dimension_numbers = #tpu.dot_dimension_numbers<[1], [1], [0], [0], [0, 0, 1, 0], [], []>, transpose_lhs_hint = false} : vector<576x256xf32>, vector<2048x256xf32>, vector<576x2048xf32> -> vector<576x2048xf32>
    %get3A_18 = arith.constant 0 : index
    %get3A_19 = arith.constant 0 : index
    %get3A_20 = vector.load %arg5[%get3A_18, %get3A_19] : memref<1x8192xf32, #tpu.memory_space<vmem>>, vector<1x128xf32>
    %get3A_21 = vector.shape_cast %get3A_20 : vector<1x128xf32> to vector<128xf32>
    %broadcast_in_dim3A_22 = vector.shape_cast %get3A_21 : vector<128xf32> to vector<1x128xf32>
    %add3A = vector.broadcast %broadcast_in_dim3A : vector<576x1xf32> to vector<576x128xf32>
    %add3A_23 = vector.broadcast %broadcast_in_dim3A_22 : vector<1x128xf32> to vector<576x128xf32>
    %add3A_24 = arith.addf %add3A, %add3A_23 : vector<576x128xf32>
    %slice3A = vector.extract_strided_slice %dot_general3A_12 {offsets = [0, 0], sizes = [576, 128], strides = [1, 1]} : vector<576x2048xf32> to vector<576x128xf32>
    %sub3A = arith.subf %add3A_24, %slice3A : vector<576x128xf32>
    %lt3A = arith.cmpf olt, %sub3A, %broadcast_in_dim3A_6 : vector<576x128xf32>
    %select_n3A = arith.select %lt3A, %sub3A, %broadcast_in_dim3A_6 : vector<576x128xi1>, vector<576x128xf32>
    %jit3A = arith.constant 0 : i32
    %broadcast_in_dim3A_25 = vector.broadcast %jit3A : i32 to vector<576x128xi32>
    %select_n3A_26 = arith.select %lt3A, %broadcast_in_dim3A_25, %broadcast_in_dim3A_8 : vector<576x128xi1>, vector<576x128xi32>
    %get3A_27 = arith.constant 0 : index
    %get3A_28 = arith.constant 128 : index
    %get3A_29 = vector.load %arg5[%get3A_27, %get3A_28] : memref<1x8192xf32, #tpu.memory_space<vmem>>, vector<1x128xf32>
    %get3A_30 = vector.shape_cast %get3A_29 : vector<1x128xf32> to vector<128xf32>
    %broadcast_in_dim3A_31 = vector.shape_cast %get3A_30 : vector<128xf32> to vector<1x128xf32>
    %add3A_32 = vector.broadcast %broadcast_in_dim3A : vector<576x1xf32> to vector<576x128xf32>
    %add3A_33 = vector.broadcast %broadcast_in_dim3A_31 : vector<1x128xf32> to vector<576x128xf32>
    %add3A_34 = arith.addf %add3A_32, %add3A_33 : vector<576x128xf32>
    %slice3A_35 = vector.extract_strided_slice %dot_general3A_12 {offsets = [0, 128], sizes = [576, 128], strides = [1, 1]} : vector<576x2048xf32> to vector<576x128xf32>
    %sub3A_36 = arith.subf %add3A_34, %slice3A_35 : vector<576x128xf32>
    %lt3A_37 = arith.cmpf olt, %sub3A_36, %select_n3A : vector<576x128xf32>
    %select_n3A_38 = arith.select %lt3A_37, %sub3A_36, %select_n3A : vector<576x128xi1>, vector<576x128xf32>
    %jit3A_39 = arith.constant 1 : i32
    %broadcast_in_dim3A_40 = vector.broadcast %jit3A_39 : i32 to vector<576x128xi32>
    %select_n3A_41 = arith.select %lt3A_37, %broadcast_in_dim3A_40, %select_n3A_26 : vector<576x128xi1>, vector<576x128xi32>
    %get3A_42 = arith.constant 0 : index
    %get3A_43 = arith.constant 256 : index
    %get3A_44 = vector.load %arg5[%get3A_42, %get3A_43] : memref<1x8192xf32, #tpu.memory_space<vmem>>, vector<1x128xf32>
    %get3A_45 = vector.shape_cast %get3A_44 : vector<1x128xf32> to vector<128xf32>
    %broadcast_in_dim3A_46 = vector.shape_cast %get3A_45 : vector<128xf32> to vector<1x128xf32>
    %add3A_47 = vector.broadcast %broadcast_in_dim3A : vector<576x1xf32> to vector<576x128xf32>
    %add3A_48 = vector.broadcast %broadcast_in_dim3A_46 : vector<1x128xf32> to vector<576x128xf32>
    %add3A_49 = arith.addf %add3A_47, %add3A_48 : vector<576x128xf32>
    %slice3A_50 = vector.extract_strided_slice %dot_general3A_12 {offsets = [0, 256], sizes = [576, 128], strides = [1, 1]} : vector<576x2048xf32> to vector<576x128xf32>
    %sub3A_51 = arith.subf %add3A_49, %slice3A_50 : vector<576x128xf32>
    %lt3A_52 = arith.cmpf olt, %sub3A_51, %select_n3A_38 : vector<576x128xf32>
    %select_n3A_53 = arith.select %lt3A_52, %sub3A_51, %select_n3A_38 : vector<576x128xi1>, vector<576x128xf32>
    %jit3A_54 = arith.constant 2 : i32
    %broadcast_in_dim3A_55 = vector.broadcast %jit3A_54 : i32 to vector<576x128xi32>
    %select_n3A_56 = arith.select %lt3A_52, %broadcast_in_dim3A_55, %select_n3A_41 : vector<576x128xi1>, vector<576x128xi32>
    %get3A_57 = arith.constant 0 : index
    %get3A_58 = arith.constant 384 : index
    %get3A_59 = vector.load %arg5[%get3A_57, %get3A_58] : memref<1x8192xf32, #tpu.memory_space<vmem>>, vector<1x128xf32>
    %get3A_60 = vector.shape_cast %get3A_59 : vector<1x128xf32> to vector<128xf32>
    %broadcast_in_dim3A_61 = vector.shape_cast %get3A_60 : vector<128xf32> to vector<1x128xf32>
    %add3A_62 = vector.broadcast %broadcast_in_dim3A : vector<576x1xf32> to vector<576x128xf32>
    %add3A_63 = vector.broadcast %broadcast_in_dim3A_61 : vector<1x128xf32> to vector<576x128xf32>
    %add3A_64 = arith.addf %add3A_62, %add3A_63 : vector<576x128xf32>
    %slice3A_65 = vector.extract_strided_slice %dot_general3A_12 {offsets = [0, 384], sizes = [576, 128], strides = [1, 1]} : vector<576x2048xf32> to vector<576x128xf32>
    %sub3A_66 = arith.subf %add3A_64, %slice3A_65 : vector<576x128xf32>
    %lt3A_67 = arith.cmpf olt, %sub3A_66, %select_n3A_53 : vector<576x128xf32>
    %select_n3A_68 = arith.select %lt3A_67, %sub3A_66, %select_n3A_53 : vector<576x128xi1>, vector<576x128xf32>
    %jit3A_69 = arith.constant 3 : i32
    %broadcast_in_dim3A_70 = vector.broadcast %jit3A_69 : i32 to vector<576x128xi32>
    %select_n3A_71 = arith.select %lt3A_67, %broadcast_in_dim3A_70, %select_n3A_56 : vector<576x128xi1>, vector<576x128xi32>
    %get3A_72 = arith.constant 0 : index
    %get3A_73 = arith.constant 512 : index
    %get3A_74 = vector.load %arg5[%get3A_72, %get3A_73] : memref<1x8192xf32, #tpu.memory_space<vmem>>, vector<1x128xf32>
    %get3A_75 = vector.shape_cast %get3A_74 : vector<1x128xf32> to vector<128xf32>
    %broadcast_in_dim3A_76 = vector.shape_cast %get3A_75 : vector<128xf32> to vector<1x128xf32>
    %add3A_77 = vector.broadcast %broadcast_in_dim3A : vector<576x1xf32> to vector<576x128xf32>
    %add3A_78 = vector.broadcast %broadcast_in_dim3A_76 : vector<1x128xf32> to vector<576x128xf32>
    %add3A_79 = arith.addf %add3A_77, %add3A_78 : vector<576x128xf32>
    %slice3A_80 = vector.extract_strided_slice %dot_general3A_12 {offsets = [0, 512], sizes = [576, 128], strides = [1, 1]} : vector<576x2048xf32> to vector<576x128xf32>
    %sub3A_81 = arith.subf %add3A_79, %slice3A_80 : vector<576x128xf32>
    %lt3A_82 = arith.cmpf olt, %sub3A_81, %select_n3A_68 : vector<576x128xf32>
    %select_n3A_83 = arith.select %lt3A_82, %sub3A_81, %select_n3A_68 : vector<576x128xi1>, vector<576x128xf32>
    %jit3A_84 = arith.constant 4 : i32
    %broadcast_in_dim3A_85 = vector.broadcast %jit3A_84 : i32 to vector<576x128xi32>
    %select_n3A_86 = arith.select %lt3A_82, %broadcast_in_dim3A_85, %select_n3A_71 : vector<576x128xi1>, vector<576x128xi32>
    %get3A_87 = arith.constant 0 : index
    %get3A_88 = arith.constant 640 : index
    %get3A_89 = vector.load %arg5[%get3A_87, %get3A_88] : memref<1x8192xf32, #tpu.memory_space<vmem>>, vector<1x128xf32>
    %get3A_90 = vector.shape_cast %get3A_89 : vector<1x128xf32> to vector<128xf32>
    %broadcast_in_dim3A_91 = vector.shape_cast %get3A_90 : vector<128xf32> to vector<1x128xf32>
    %add3A_92 = vector.broadcast %broadcast_in_dim3A : vector<576x1xf32> to vector<576x128xf32>
    %add3A_93 = vector.broadcast %broadcast_in_dim3A_91 : vector<1x128xf32> to vector<576x128xf32>
    %add3A_94 = arith.addf %add3A_92, %add3A_93 : vector<576x128xf32>
    %slice3A_95 = vector.extract_strided_slice %dot_general3A_12 {offsets = [0, 640], sizes = [576, 128], strides = [1, 1]} : vector<576x2048xf32> to vector<576x128xf32>
    %sub3A_96 = arith.subf %add3A_94, %slice3A_95 : vector<576x128xf32>
    %lt3A_97 = arith.cmpf olt, %sub3A_96, %select_n3A_83 : vector<576x128xf32>
    %select_n3A_98 = arith.select %lt3A_97, %sub3A_96, %select_n3A_83 : vector<576x128xi1>, vector<576x128xf32>
    %jit3A_99 = arith.constant 5 : i32
    %broadcast_in_dim3A_100 = vector.broadcast %jit3A_99 : i32 to vector<576x128xi32>
    %select_n3A_101 = arith.select %lt3A_97, %broadcast_in_dim3A_100, %select_n3A_86 : vector<576x128xi1>, vector<576x128xi32>
    %get3A_102 = arith.constant 0 : index
    %get3A_103 = arith.constant 768 : index
    %get3A_104 = vector.load %arg5[%get3A_102, %get3A_103] : memref<1x8192xf32, #tpu.memory_space<vmem>>, vector<1x128xf32>
    %get3A_105 = vector.shape_cast %get3A_104 : vector<1x128xf32> to vector<128xf32>
    %broadcast_in_dim3A_106 = vector.shape_cast %get3A_105 : vector<128xf32> to vector<1x128xf32>
    %add3A_107 = vector.broadcast %broadcast_in_dim3A : vector<576x1xf32> to vector<576x128xf32>
    %add3A_108 = vector.broadcast %broadcast_in_dim3A_106 : vector<1x128xf32> to vector<576x128xf32>
    %add3A_109 = arith.addf %add3A_107, %add3A_108 : vector<576x128xf32>
    %slice3A_110 = vector.extract_strided_slice %dot_general3A_12 {offsets = [0, 768], sizes = [576, 128], strides = [1, 1]} : vector<576x2048xf32> to vector<576x128xf32>
    %sub3A_111 = arith.subf %add3A_109, %slice3A_110 : vector<576x128xf32>
    %lt3A_112 = arith.cmpf olt, %sub3A_111, %select_n3A_98 : vector<576x128xf32>
    %select_n3A_113 = arith.select %lt3A_112, %sub3A_111, %select_n3A_98 : vector<576x128xi1>, vector<576x128xf32>
    %jit3A_114 = arith.constant 6 : i32
    %broadcast_in_dim3A_115 = vector.broadcast %jit3A_114 : i32 to vector<576x128xi32>
    %select_n3A_116 = arith.select %lt3A_112, %broadcast_in_dim3A_115, %select_n3A_101 : vector<576x128xi1>, vector<576x128xi32>
    %get3A_117 = arith.constant 0 : index
    %get3A_118 = arith.constant 896 : index
    %get3A_119 = vector.load %arg5[%get3A_117, %get3A_118] : memref<1x8192xf32, #tpu.memory_space<vmem>>, vector<1x128xf32>
    %get3A_120 = vector.shape_cast %get3A_119 : vector<1x128xf32> to vector<128xf32>
    %broadcast_in_dim3A_121 = vector.shape_cast %get3A_120 : vector<128xf32> to vector<1x128xf32>
    %add3A_122 = vector.broadcast %broadcast_in_dim3A : vector<576x1xf32> to vector<576x128xf32>
    %add3A_123 = vector.broadcast %broadcast_in_dim3A_121 : vector<1x128xf32> to vector<576x128xf32>
    %add3A_124 = arith.addf %add3A_122, %add3A_123 : vector<576x128xf32>
    %slice3A_125 = vector.extract_strided_slice %dot_general3A_12 {offsets = [0, 896], sizes = [576, 128], strides = [1, 1]} : vector<576x2048xf32> to vector<576x128xf32>
    %sub3A_126 = arith.subf %add3A_124, %slice3A_125 : vector<576x128xf32>
    %lt3A_127 = arith.cmpf olt, %sub3A_126, %select_n3A_113 : vector<576x128xf32>
    %select_n3A_128 = arith.select %lt3A_127, %sub3A_126, %select_n3A_113 : vector<576x128xi1>, vector<576x128xf32>
    %jit3A_129 = arith.constant 7 : i32
    %broadcast_in_dim3A_130 = vector.broadcast %jit3A_129 : i32 to vector<576x128xi32>
    %select_n3A_131 = arith.select %lt3A_127, %broadcast_in_dim3A_130, %select_n3A_116 : vector<576x128xi1>, vector<576x128xi32>
    %get3A_132 = arith.constant 0 : index
    %get3A_133 = arith.constant 1024 : index
    %get3A_134 = vector.load %arg5[%get3A_132, %get3A_133] : memref<1x8192xf32, #tpu.memory_space<vmem>>, vector<1x128xf32>
    %get3A_135 = vector.shape_cast %get3A_134 : vector<1x128xf32> to vector<128xf32>
    %broadcast_in_dim3A_136 = vector.shape_cast %get3A_135 : vector<128xf32> to vector<1x128xf32>
    %add3A_137 = vector.broadcast %broadcast_in_dim3A : vector<576x1xf32> to vector<576x128xf32>
    %add3A_138 = vector.broadcast %broadcast_in_dim3A_136 : vector<1x128xf32> to vector<576x128xf32>
    %add3A_139 = arith.addf %add3A_137, %add3A_138 : vector<576x128xf32>
    %slice3A_140 = vector.extract_strided_slice %dot_general3A_12 {offsets = [0, 1024], sizes = [576, 128], strides = [1, 1]} : vector<576x2048xf32> to vector<576x128xf32>
    %sub3A_141 = arith.subf %add3A_139, %slice3A_140 : vector<576x128xf32>
    %lt3A_142 = arith.cmpf olt, %sub3A_141, %select_n3A_128 : vector<576x128xf32>
    %select_n3A_143 = arith.select %lt3A_142, %sub3A_141, %select_n3A_128 : vector<576x128xi1>, vector<576x128xf32>
    %jit3A_144 = arith.constant 8 : i32
    %broadcast_in_dim3A_145 = vector.broadcast %jit3A_144 : i32 to vector<576x128xi32>
    %select_n3A_146 = arith.select %lt3A_142, %broadcast_in_dim3A_145, %select_n3A_131 : vector<576x128xi1>, vector<576x128xi32>
    %get3A_147 = arith.constant 0 : index
    %get3A_148 = arith.constant 1152 : index
    %get3A_149 = vector.load %arg5[%get3A_147, %get3A_148] : memref<1x8192xf32, #tpu.memory_space<vmem>>, vector<1x128xf32>
    %get3A_150 = vector.shape_cast %get3A_149 : vector<1x128xf32> to vector<128xf32>
    %broadcast_in_dim3A_151 = vector.shape_cast %get3A_150 : vector<128xf32> to vector<1x128xf32>
    %add3A_152 = vector.broadcast %broadcast_in_dim3A : vector<576x1xf32> to vector<576x128xf32>
    %add3A_153 = vector.broadcast %broadcast_in_dim3A_151 : vector<1x128xf32> to vector<576x128xf32>
    %add3A_154 = arith.addf %add3A_152, %add3A_153 : vector<576x128xf32>
    %slice3A_155 = vector.extract_strided_slice %dot_general3A_12 {offsets = [0, 1152], sizes = [576, 128], strides = [1, 1]} : vector<576x2048xf32> to vector<576x128xf32>
    %sub3A_156 = arith.subf %add3A_154, %slice3A_155 : vector<576x128xf32>
    %lt3A_157 = arith.cmpf olt, %sub3A_156, %select_n3A_143 : vector<576x128xf32>
    %select_n3A_158 = arith.select %lt3A_157, %sub3A_156, %select_n3A_143 : vector<576x128xi1>, vector<576x128xf32>
    %jit3A_159 = arith.constant 9 : i32
    %broadcast_in_dim3A_160 = vector.broadcast %jit3A_159 : i32 to vector<576x128xi32>
    %select_n3A_161 = arith.select %lt3A_157, %broadcast_in_dim3A_160, %select_n3A_146 : vector<576x128xi1>, vector<576x128xi32>
    %get3A_162 = arith.constant 0 : index
    %get3A_163 = arith.constant 1280 : index
    %get3A_164 = vector.load %arg5[%get3A_162, %get3A_163] : memref<1x8192xf32, #tpu.memory_space<vmem>>, vector<1x128xf32>
    %get3A_165 = vector.shape_cast %get3A_164 : vector<1x128xf32> to vector<128xf32>
    %broadcast_in_dim3A_166 = vector.shape_cast %get3A_165 : vector<128xf32> to vector<1x128xf32>
    %add3A_167 = vector.broadcast %broadcast_in_dim3A : vector<576x1xf32> to vector<576x128xf32>
    %add3A_168 = vector.broadcast %broadcast_in_dim3A_166 : vector<1x128xf32> to vector<576x128xf32>
    %add3A_169 = arith.addf %add3A_167, %add3A_168 : vector<576x128xf32>
    %slice3A_170 = vector.extract_strided_slice %dot_general3A_12 {offsets = [0, 1280], sizes = [576, 128], strides = [1, 1]} : vector<576x2048xf32> to vector<576x128xf32>
    %sub3A_171 = arith.subf %add3A_169, %slice3A_170 : vector<576x128xf32>
    %lt3A_172 = arith.cmpf olt, %sub3A_171, %select_n3A_158 : vector<576x128xf32>
    %select_n3A_173 = arith.select %lt3A_172, %sub3A_171, %select_n3A_158 : vector<576x128xi1>, vector<576x128xf32>
    %jit3A_174 = arith.constant 10 : i32
    %broadcast_in_dim3A_175 = vector.broadcast %jit3A_174 : i32 to vector<576x128xi32>
    %select_n3A_176 = arith.select %lt3A_172, %broadcast_in_dim3A_175, %select_n3A_161 : vector<576x128xi1>, vector<576x128xi32>
    %get3A_177 = arith.constant 0 : index
    %get3A_178 = arith.constant 1408 : index
    %get3A_179 = vector.load %arg5[%get3A_177, %get3A_178] : memref<1x8192xf32, #tpu.memory_space<vmem>>, vector<1x128xf32>
    %get3A_180 = vector.shape_cast %get3A_179 : vector<1x128xf32> to vector<128xf32>
    %broadcast_in_dim3A_181 = vector.shape_cast %get3A_180 : vector<128xf32> to vector<1x128xf32>
    %add3A_182 = vector.broadcast %broadcast_in_dim3A : vector<576x1xf32> to vector<576x128xf32>
    %add3A_183 = vector.broadcast %broadcast_in_dim3A_181 : vector<1x128xf32> to vector<576x128xf32>
    %add3A_184 = arith.addf %add3A_182, %add3A_183 : vector<576x128xf32>
    %slice3A_185 = vector.extract_strided_slice %dot_general3A_12 {offsets = [0, 1408], sizes = [576, 128], strides = [1, 1]} : vector<576x2048xf32> to vector<576x128xf32>
    %sub3A_186 = arith.subf %add3A_184, %slice3A_185 : vector<576x128xf32>
    %lt3A_187 = arith.cmpf olt, %sub3A_186, %select_n3A_173 : vector<576x128xf32>
    %select_n3A_188 = arith.select %lt3A_187, %sub3A_186, %select_n3A_173 : vector<576x128xi1>, vector<576x128xf32>
    %jit3A_189 = arith.constant 11 : i32
    %broadcast_in_dim3A_190 = vector.broadcast %jit3A_189 : i32 to vector<576x128xi32>
    %select_n3A_191 = arith.select %lt3A_187, %broadcast_in_dim3A_190, %select_n3A_176 : vector<576x128xi1>, vector<576x128xi32>
    %get3A_192 = arith.constant 0 : index
    %get3A_193 = arith.constant 1536 : index
    %get3A_194 = vector.load %arg5[%get3A_192, %get3A_193] : memref<1x8192xf32, #tpu.memory_space<vmem>>, vector<1x128xf32>
    %get3A_195 = vector.shape_cast %get3A_194 : vector<1x128xf32> to vector<128xf32>
    %broadcast_in_dim3A_196 = vector.shape_cast %get3A_195 : vector<128xf32> to vector<1x128xf32>
    %add3A_197 = vector.broadcast %broadcast_in_dim3A : vector<576x1xf32> to vector<576x128xf32>
    %add3A_198 = vector.broadcast %broadcast_in_dim3A_196 : vector<1x128xf32> to vector<576x128xf32>
    %add3A_199 = arith.addf %add3A_197, %add3A_198 : vector<576x128xf32>
    %slice3A_200 = vector.extract_strided_slice %dot_general3A_12 {offsets = [0, 1536], sizes = [576, 128], strides = [1, 1]} : vector<576x2048xf32> to vector<576x128xf32>
    %sub3A_201 = arith.subf %add3A_199, %slice3A_200 : vector<576x128xf32>
    %lt3A_202 = arith.cmpf olt, %sub3A_201, %select_n3A_188 : vector<576x128xf32>
    %select_n3A_203 = arith.select %lt3A_202, %sub3A_201, %select_n3A_188 : vector<576x128xi1>, vector<576x128xf32>
    %jit3A_204 = arith.constant 12 : i32
    %broadcast_in_dim3A_205 = vector.broadcast %jit3A_204 : i32 to vector<576x128xi32>
    %select_n3A_206 = arith.select %lt3A_202, %broadcast_in_dim3A_205, %select_n3A_191 : vector<576x128xi1>, vector<576x128xi32>
    %get3A_207 = arith.constant 0 : index
    %get3A_208 = arith.constant 1664 : index
    %get3A_209 = vector.load %arg5[%get3A_207, %get3A_208] : memref<1x8192xf32, #tpu.memory_space<vmem>>, vector<1x128xf32>
    %get3A_210 = vector.shape_cast %get3A_209 : vector<1x128xf32> to vector<128xf32>
    %broadcast_in_dim3A_211 = vector.shape_cast %get3A_210 : vector<128xf32> to vector<1x128xf32>
    %add3A_212 = vector.broadcast %broadcast_in_dim3A : vector<576x1xf32> to vector<576x128xf32>
    %add3A_213 = vector.broadcast %broadcast_in_dim3A_211 : vector<1x128xf32> to vector<576x128xf32>
    %add3A_214 = arith.addf %add3A_212, %add3A_213 : vector<576x128xf32>
    %slice3A_215 = vector.extract_strided_slice %dot_general3A_12 {offsets = [0, 1664], sizes = [576, 128], strides = [1, 1]} : vector<576x2048xf32> to vector<576x128xf32>
    %sub3A_216 = arith.subf %add3A_214, %slice3A_215 : vector<576x128xf32>
    %lt3A_217 = arith.cmpf olt, %sub3A_216, %select_n3A_203 : vector<576x128xf32>
    %select_n3A_218 = arith.select %lt3A_217, %sub3A_216, %select_n3A_203 : vector<576x128xi1>, vector<576x128xf32>
    %jit3A_219 = arith.constant 13 : i32
    %broadcast_in_dim3A_220 = vector.broadcast %jit3A_219 : i32 to vector<576x128xi32>
    %select_n3A_221 = arith.select %lt3A_217, %broadcast_in_dim3A_220, %select_n3A_206 : vector<576x128xi1>, vector<576x128xi32>
    %get3A_222 = arith.constant 0 : index
    %get3A_223 = arith.constant 1792 : index
    %get3A_224 = vector.load %arg5[%get3A_222, %get3A_223] : memref<1x8192xf32, #tpu.memory_space<vmem>>, vector<1x128xf32>
    %get3A_225 = vector.shape_cast %get3A_224 : vector<1x128xf32> to vector<128xf32>
    %broadcast_in_dim3A_226 = vector.shape_cast %get3A_225 : vector<128xf32> to vector<1x128xf32>
    %add3A_227 = vector.broadcast %broadcast_in_dim3A : vector<576x1xf32> to vector<576x128xf32>
    %add3A_228 = vector.broadcast %broadcast_in_dim3A_226 : vector<1x128xf32> to vector<576x128xf32>
    %add3A_229 = arith.addf %add3A_227, %add3A_228 : vector<576x128xf32>
    %slice3A_230 = vector.extract_strided_slice %dot_general3A_12 {offsets = [0, 1792], sizes = [576, 128], strides = [1, 1]} : vector<576x2048xf32> to vector<576x128xf32>
    %sub3A_231 = arith.subf %add3A_229, %slice3A_230 : vector<576x128xf32>
    %lt3A_232 = arith.cmpf olt, %sub3A_231, %select_n3A_218 : vector<576x128xf32>
    %select_n3A_233 = arith.select %lt3A_232, %sub3A_231, %select_n3A_218 : vector<576x128xi1>, vector<576x128xf32>
    %jit3A_234 = arith.constant 14 : i32
    %broadcast_in_dim3A_235 = vector.broadcast %jit3A_234 : i32 to vector<576x128xi32>
    %select_n3A_236 = arith.select %lt3A_232, %broadcast_in_dim3A_235, %select_n3A_221 : vector<576x128xi1>, vector<576x128xi32>
    %get3A_237 = arith.constant 0 : index
    %get3A_238 = arith.constant 1920 : index
    %get3A_239 = vector.load %arg5[%get3A_237, %get3A_238] : memref<1x8192xf32, #tpu.memory_space<vmem>>, vector<1x128xf32>
    %get3A_240 = vector.shape_cast %get3A_239 : vector<1x128xf32> to vector<128xf32>
    %broadcast_in_dim3A_241 = vector.shape_cast %get3A_240 : vector<128xf32> to vector<1x128xf32>
    %add3A_242 = vector.broadcast %broadcast_in_dim3A : vector<576x1xf32> to vector<576x128xf32>
    %add3A_243 = vector.broadcast %broadcast_in_dim3A_241 : vector<1x128xf32> to vector<576x128xf32>
    %add3A_244 = arith.addf %add3A_242, %add3A_243 : vector<576x128xf32>
    %slice3A_245 = vector.extract_strided_slice %dot_general3A_12 {offsets = [0, 1920], sizes = [576, 128], strides = [1, 1]} : vector<576x2048xf32> to vector<576x128xf32>
    %sub3A_246 = arith.subf %add3A_244, %slice3A_245 : vector<576x128xf32>
    %lt3A_247 = arith.cmpf olt, %sub3A_246, %select_n3A_233 : vector<576x128xf32>
    %select_n3A_248 = arith.select %lt3A_247, %sub3A_246, %select_n3A_233 : vector<576x128xi1>, vector<576x128xf32>
    %jit3A_249 = arith.constant 15 : i32
    %broadcast_in_dim3A_250 = vector.broadcast %jit3A_249 : i32 to vector<576x128xi32>
    %select_n3A_251 = arith.select %lt3A_247, %broadcast_in_dim3A_250, %select_n3A_236 : vector<576x128xi1>, vector<576x128xi32>
    %get3A_252 = arith.constant 4096 : index
    %get3A_253 = arith.constant 0 : index
    %get3A_254 = vector.load %arg6[%get3A_252, %get3A_253] : memref<8192x256xf32, #tpu.memory_space<vmem>>, vector<2048x256xf32>
    %dot_general3A_255 = arith.constant dense<0.000000e+00> : vector<576x2048xf32>
    %dot_general3A_256 = tpu.matmul %get3A_1, %get3A_254, %dot_general3A_255 {dimension_numbers = #tpu.dot_dimension_numbers<[1], [1], [0], [0], [0, 0, 1, 0], [], []>, transpose_lhs_hint = false} : vector<576x256xf32>, vector<2048x256xf32>, vector<576x2048xf32> -> vector<576x2048xf32>
    %get3A_257 = arith.constant 0 : index
    %get3A_258 = arith.constant 2048 : index
    %get3A_259 = vector.load %arg5[%get3A_257, %get3A_258] : memref<1x8192xf32, #tpu.memory_space<vmem>>, vector<1x128xf32>
    %get3A_260 = vector.shape_cast %get3A_259 : vector<1x128xf32> to vector<128xf32>
    %broadcast_in_dim3A_261 = vector.shape_cast %get3A_260 : vector<128xf32> to vector<1x128xf32>
    %add3A_262 = vector.broadcast %broadcast_in_dim3A : vector<576x1xf32> to vector<576x128xf32>
    %add3A_263 = vector.broadcast %broadcast_in_dim3A_261 : vector<1x128xf32> to vector<576x128xf32>
    %add3A_264 = arith.addf %add3A_262, %add3A_263 : vector<576x128xf32>
    %slice3A_265 = vector.extract_strided_slice %dot_general3A_17 {offsets = [0, 0], sizes = [576, 128], strides = [1, 1]} : vector<576x2048xf32> to vector<576x128xf32>
    %sub3A_266 = arith.subf %add3A_264, %slice3A_265 : vector<576x128xf32>
    %lt3A_267 = arith.cmpf olt, %sub3A_266, %select_n3A_248 : vector<576x128xf32>
    %select_n3A_268 = arith.select %lt3A_267, %sub3A_266, %select_n3A_248 : vector<576x128xi1>, vector<576x128xf32>
    %jit3A_269 = arith.constant 16 : i32
    %broadcast_in_dim3A_270 = vector.broadcast %jit3A_269 : i32 to vector<576x128xi32>
    %select_n3A_271 = arith.select %lt3A_267, %broadcast_in_dim3A_270, %select_n3A_251 : vector<576x128xi1>, vector<576x128xi32>
    %get3A_272 = arith.constant 0 : index
    %get3A_273 = arith.constant 2176 : index
    %get3A_274 = vector.load %arg5[%get3A_272, %get3A_273] : memref<1x8192xf32, #tpu.memory_space<vmem>>, vector<1x128xf32>
    %get3A_275 = vector.shape_cast %get3A_274 : vector<1x128xf32> to vector<128xf32>
    %broadcast_in_dim3A_276 = vector.shape_cast %get3A_275 : vector<128xf32> to vector<1x128xf32>
    %add3A_277 = vector.broadcast %broadcast_in_dim3A : vector<576x1xf32> to vector<576x128xf32>
    %add3A_278 = vector.broadcast %broadcast_in_dim3A_276 : vector<1x128xf32> to vector<576x128xf32>
    %add3A_279 = arith.addf %add3A_277, %add3A_278 : vector<576x128xf32>
    %slice3A_280 = vector.extract_strided_slice %dot_general3A_17 {offsets = [0, 128], sizes = [576, 128], strides = [1, 1]} : vector<576x2048xf32> to vector<576x128xf32>
    %sub3A_281 = arith.subf %add3A_279, %slice3A_280 : vector<576x128xf32>
    %lt3A_282 = arith.cmpf olt, %sub3A_281, %select_n3A_268 : vector<576x128xf32>
    %select_n3A_283 = arith.select %lt3A_282, %sub3A_281, %select_n3A_268 : vector<576x128xi1>, vector<576x128xf32>
    %jit3A_284 = arith.constant 17 : i32
    %broadcast_in_dim3A_285 = vector.broadcast %jit3A_284 : i32 to vector<576x128xi32>
    %select_n3A_286 = arith.select %lt3A_282, %broadcast_in_dim3A_285, %select_n3A_271 : vector<576x128xi1>, vector<576x128xi32>
    %get3A_287 = arith.constant 0 : index
    %get3A_288 = arith.constant 2304 : index
    %get3A_289 = vector.load %arg5[%get3A_287, %get3A_288] : memref<1x8192xf32, #tpu.memory_space<vmem>>, vector<1x128xf32>
    %get3A_290 = vector.shape_cast %get3A_289 : vector<1x128xf32> to vector<128xf32>
    %broadcast_in_dim3A_291 = vector.shape_cast %get3A_290 : vector<128xf32> to vector<1x128xf32>
    %add3A_292 = vector.broadcast %broadcast_in_dim3A : vector<576x1xf32> to vector<576x128xf32>
    %add3A_293 = vector.broadcast %broadcast_in_dim3A_291 : vector<1x128xf32> to vector<576x128xf32>
    %add3A_294 = arith.addf %add3A_292, %add3A_293 : vector<576x128xf32>
    %slice3A_295 = vector.extract_strided_slice %dot_general3A_17 {offsets = [0, 256], sizes = [576, 128], strides = [1, 1]} : vector<576x2048xf32> to vector<576x128xf32>
    %sub3A_296 = arith.subf %add3A_294, %slice3A_295 : vector<576x128xf32>
    %lt3A_297 = arith.cmpf olt, %sub3A_296, %select_n3A_283 : vector<576x128xf32>
    %select_n3A_298 = arith.select %lt3A_297, %sub3A_296, %select_n3A_283 : vector<576x128xi1>, vector<576x128xf32>
    %jit3A_299 = arith.constant 18 : i32
    %broadcast_in_dim3A_300 = vector.broadcast %jit3A_299 : i32 to vector<576x128xi32>
    %select_n3A_301 = arith.select %lt3A_297, %broadcast_in_dim3A_300, %select_n3A_286 : vector<576x128xi1>, vector<576x128xi32>
    %get3A_302 = arith.constant 0 : index
    %get3A_303 = arith.constant 2432 : index
    %get3A_304 = vector.load %arg5[%get3A_302, %get3A_303] : memref<1x8192xf32, #tpu.memory_space<vmem>>, vector<1x128xf32>
    %get3A_305 = vector.shape_cast %get3A_304 : vector<1x128xf32> to vector<128xf32>
    %broadcast_in_dim3A_306 = vector.shape_cast %get3A_305 : vector<128xf32> to vector<1x128xf32>
    %add3A_307 = vector.broadcast %broadcast_in_dim3A : vector<576x1xf32> to vector<576x128xf32>
    %add3A_308 = vector.broadcast %broadcast_in_dim3A_306 : vector<1x128xf32> to vector<576x128xf32>
    %add3A_309 = arith.addf %add3A_307, %add3A_308 : vector<576x128xf32>
    %slice3A_310 = vector.extract_strided_slice %dot_general3A_17 {offsets = [0, 384], sizes = [576, 128], strides = [1, 1]} : vector<576x2048xf32> to vector<576x128xf32>
    %sub3A_311 = arith.subf %add3A_309, %slice3A_310 : vector<576x128xf32>
    %lt3A_312 = arith.cmpf olt, %sub3A_311, %select_n3A_298 : vector<576x128xf32>
    %select_n3A_313 = arith.select %lt3A_312, %sub3A_311, %select_n3A_298 : vector<576x128xi1>, vector<576x128xf32>
    %jit3A_314 = arith.constant 19 : i32
    %broadcast_in_dim3A_315 = vector.broadcast %jit3A_314 : i32 to vector<576x128xi32>
    %select_n3A_316 = arith.select %lt3A_312, %broadcast_in_dim3A_315, %select_n3A_301 : vector<576x128xi1>, vector<576x128xi32>
    %get3A_317 = arith.constant 0 : index
    %get3A_318 = arith.constant 2560 : index
    %get3A_319 = vector.load %arg5[%get3A_317, %get3A_318] : memref<1x8192xf32, #tpu.memory_space<vmem>>, vector<1x128xf32>
    %get3A_320 = vector.shape_cast %get3A_319 : vector<1x128xf32> to vector<128xf32>
    %broadcast_in_dim3A_321 = vector.shape_cast %get3A_320 : vector<128xf32> to vector<1x128xf32>
    %add3A_322 = vector.broadcast %broadcast_in_dim3A : vector<576x1xf32> to vector<576x128xf32>
    %add3A_323 = vector.broadcast %broadcast_in_dim3A_321 : vector<1x128xf32> to vector<576x128xf32>
    %add3A_324 = arith.addf %add3A_322, %add3A_323 : vector<576x128xf32>
    %slice3A_325 = vector.extract_strided_slice %dot_general3A_17 {offsets = [0, 512], sizes = [576, 128], strides = [1, 1]} : vector<576x2048xf32> to vector<576x128xf32>
    %sub3A_326 = arith.subf %add3A_324, %slice3A_325 : vector<576x128xf32>
    %lt3A_327 = arith.cmpf olt, %sub3A_326, %select_n3A_313 : vector<576x128xf32>
    %select_n3A_328 = arith.select %lt3A_327, %sub3A_326, %select_n3A_313 : vector<576x128xi1>, vector<576x128xf32>
    %jit3A_329 = arith.constant 20 : i32
    %broadcast_in_dim3A_330 = vector.broadcast %jit3A_329 : i32 to vector<576x128xi32>
    %select_n3A_331 = arith.select %lt3A_327, %broadcast_in_dim3A_330, %select_n3A_316 : vector<576x128xi1>, vector<576x128xi32>
    %get3A_332 = arith.constant 0 : index
    %get3A_333 = arith.constant 2688 : index
    %get3A_334 = vector.load %arg5[%get3A_332, %get3A_333] : memref<1x8192xf32, #tpu.memory_space<vmem>>, vector<1x128xf32>
    %get3A_335 = vector.shape_cast %get3A_334 : vector<1x128xf32> to vector<128xf32>
    %broadcast_in_dim3A_336 = vector.shape_cast %get3A_335 : vector<128xf32> to vector<1x128xf32>
    %add3A_337 = vector.broadcast %broadcast_in_dim3A : vector<576x1xf32> to vector<576x128xf32>
    %add3A_338 = vector.broadcast %broadcast_in_dim3A_336 : vector<1x128xf32> to vector<576x128xf32>
    %add3A_339 = arith.addf %add3A_337, %add3A_338 : vector<576x128xf32>
    %slice3A_340 = vector.extract_strided_slice %dot_general3A_17 {offsets = [0, 640], sizes = [576, 128], strides = [1, 1]} : vector<576x2048xf32> to vector<576x128xf32>
    %sub3A_341 = arith.subf %add3A_339, %slice3A_340 : vector<576x128xf32>
    %lt3A_342 = arith.cmpf olt, %sub3A_341, %select_n3A_328 : vector<576x128xf32>
    %select_n3A_343 = arith.select %lt3A_342, %sub3A_341, %select_n3A_328 : vector<576x128xi1>, vector<576x128xf32>
    %jit3A_344 = arith.constant 21 : i32
    %broadcast_in_dim3A_345 = vector.broadcast %jit3A_344 : i32 to vector<576x128xi32>
    %select_n3A_346 = arith.select %lt3A_342, %broadcast_in_dim3A_345, %select_n3A_331 : vector<576x128xi1>, vector<576x128xi32>
    %get3A_347 = arith.constant 0 : index
    %get3A_348 = arith.constant 2816 : index
    %get3A_349 = vector.load %arg5[%get3A_347, %get3A_348] : memref<1x8192xf32, #tpu.memory_space<vmem>>, vector<1x128xf32>
    %get3A_350 = vector.shape_cast %get3A_349 : vector<1x128xf32> to vector<128xf32>
    %broadcast_in_dim3A_351 = vector.shape_cast %get3A_350 : vector<128xf32> to vector<1x128xf32>
    %add3A_352 = vector.broadcast %broadcast_in_dim3A : vector<576x1xf32> to vector<576x128xf32>
    %add3A_353 = vector.broadcast %broadcast_in_dim3A_351 : vector<1x128xf32> to vector<576x128xf32>
    %add3A_354 = arith.addf %add3A_352, %add3A_353 : vector<576x128xf32>
    %slice3A_355 = vector.extract_strided_slice %dot_general3A_17 {offsets = [0, 768], sizes = [576, 128], strides = [1, 1]} : vector<576x2048xf32> to vector<576x128xf32>
    %sub3A_356 = arith.subf %add3A_354, %slice3A_355 : vector<576x128xf32>
    %lt3A_357 = arith.cmpf olt, %sub3A_356, %select_n3A_343 : vector<576x128xf32>
    %select_n3A_358 = arith.select %lt3A_357, %sub3A_356, %select_n3A_343 : vector<576x128xi1>, vector<576x128xf32>
    %jit3A_359 = arith.constant 22 : i32
    %broadcast_in_dim3A_360 = vector.broadcast %jit3A_359 : i32 to vector<576x128xi32>
    %select_n3A_361 = arith.select %lt3A_357, %broadcast_in_dim3A_360, %select_n3A_346 : vector<576x128xi1>, vector<576x128xi32>
    %get3A_362 = arith.constant 0 : index
    %get3A_363 = arith.constant 2944 : index
    %get3A_364 = vector.load %arg5[%get3A_362, %get3A_363] : memref<1x8192xf32, #tpu.memory_space<vmem>>, vector<1x128xf32>
    %get3A_365 = vector.shape_cast %get3A_364 : vector<1x128xf32> to vector<128xf32>
    %broadcast_in_dim3A_366 = vector.shape_cast %get3A_365 : vector<128xf32> to vector<1x128xf32>
    %add3A_367 = vector.broadcast %broadcast_in_dim3A : vector<576x1xf32> to vector<576x128xf32>
    %add3A_368 = vector.broadcast %broadcast_in_dim3A_366 : vector<1x128xf32> to vector<576x128xf32>
    %add3A_369 = arith.addf %add3A_367, %add3A_368 : vector<576x128xf32>
    %slice3A_370 = vector.extract_strided_slice %dot_general3A_17 {offsets = [0, 896], sizes = [576, 128], strides = [1, 1]} : vector<576x2048xf32> to vector<576x128xf32>
    %sub3A_371 = arith.subf %add3A_369, %slice3A_370 : vector<576x128xf32>
    %lt3A_372 = arith.cmpf olt, %sub3A_371, %select_n3A_358 : vector<576x128xf32>
    %select_n3A_373 = arith.select %lt3A_372, %sub3A_371, %select_n3A_358 : vector<576x128xi1>, vector<576x128xf32>
    %jit3A_374 = arith.constant 23 : i32
    %broadcast_in_dim3A_375 = vector.broadcast %jit3A_374 : i32 to vector<576x128xi32>
    %select_n3A_376 = arith.select %lt3A_372, %broadcast_in_dim3A_375, %select_n3A_361 : vector<576x128xi1>, vector<576x128xi32>
    %get3A_377 = arith.constant 0 : index
    %get3A_378 = arith.constant 3072 : index
    %get3A_379 = vector.load %arg5[%get3A_377, %get3A_378] : memref<1x8192xf32, #tpu.memory_space<vmem>>, vector<1x128xf32>
    %get3A_380 = vector.shape_cast %get3A_379 : vector<1x128xf32> to vector<128xf32>
    %broadcast_in_dim3A_381 = vector.shape_cast %get3A_380 : vector<128xf32> to vector<1x128xf32>
    %add3A_382 = vector.broadcast %broadcast_in_dim3A : vector<576x1xf32> to vector<576x128xf32>
    %add3A_383 = vector.broadcast %broadcast_in_dim3A_381 : vector<1x128xf32> to vector<576x128xf32>
    %add3A_384 = arith.addf %add3A_382, %add3A_383 : vector<576x128xf32>
    %slice3A_385 = vector.extract_strided_slice %dot_general3A_17 {offsets = [0, 1024], sizes = [576, 128], strides = [1, 1]} : vector<576x2048xf32> to vector<576x128xf32>
    %sub3A_386 = arith.subf %add3A_384, %slice3A_385 : vector<576x128xf32>
    %lt3A_387 = arith.cmpf olt, %sub3A_386, %select_n3A_373 : vector<576x128xf32>
    %select_n3A_388 = arith.select %lt3A_387, %sub3A_386, %select_n3A_373 : vector<576x128xi1>, vector<576x128xf32>
    %jit3A_389 = arith.constant 24 : i32
    %broadcast_in_dim3A_390 = vector.broadcast %jit3A_389 : i32 to vector<576x128xi32>
    %select_n3A_391 = arith.select %lt3A_387, %broadcast_in_dim3A_390, %select_n3A_376 : vector<576x128xi1>, vector<576x128xi32>
    %get3A_392 = arith.constant 0 : index
    %get3A_393 = arith.constant 3200 : index
    %get3A_394 = vector.load %arg5[%get3A_392, %get3A_393] : memref<1x8192xf32, #tpu.memory_space<vmem>>, vector<1x128xf32>
    %get3A_395 = vector.shape_cast %get3A_394 : vector<1x128xf32> to vector<128xf32>
    %broadcast_in_dim3A_396 = vector.shape_cast %get3A_395 : vector<128xf32> to vector<1x128xf32>
    %add3A_397 = vector.broadcast %broadcast_in_dim3A : vector<576x1xf32> to vector<576x128xf32>
    %add3A_398 = vector.broadcast %broadcast_in_dim3A_396 : vector<1x128xf32> to vector<576x128xf32>
    %add3A_399 = arith.addf %add3A_397, %add3A_398 : vector<576x128xf32>
    %slice3A_400 = vector.extract_strided_slice %dot_general3A_17 {offsets = [0, 1152], sizes = [576, 128], strides = [1, 1]} : vector<576x2048xf32> to vector<576x128xf32>
    %sub3A_401 = arith.subf %add3A_399, %slice3A_400 : vector<576x128xf32>
    %lt3A_402 = arith.cmpf olt, %sub3A_401, %select_n3A_388 : vector<576x128xf32>
    %select_n3A_403 = arith.select %lt3A_402, %sub3A_401, %select_n3A_388 : vector<576x128xi1>, vector<576x128xf32>
    %jit3A_404 = arith.constant 25 : i32
    %broadcast_in_dim3A_405 = vector.broadcast %jit3A_404 : i32 to vector<576x128xi32>
    %select_n3A_406 = arith.select %lt3A_402, %broadcast_in_dim3A_405, %select_n3A_391 : vector<576x128xi1>, vector<576x128xi32>
    %get3A_407 = arith.constant 0 : index
    %get3A_408 = arith.constant 3328 : index
    %get3A_409 = vector.load %arg5[%get3A_407, %get3A_408] : memref<1x8192xf32, #tpu.memory_space<vmem>>, vector<1x128xf32>
    %get3A_410 = vector.shape_cast %get3A_409 : vector<1x128xf32> to vector<128xf32>
    %broadcast_in_dim3A_411 = vector.shape_cast %get3A_410 : vector<128xf32> to vector<1x128xf32>
    %add3A_412 = vector.broadcast %broadcast_in_dim3A : vector<576x1xf32> to vector<576x128xf32>
    %add3A_413 = vector.broadcast %broadcast_in_dim3A_411 : vector<1x128xf32> to vector<576x128xf32>
    %add3A_414 = arith.addf %add3A_412, %add3A_413 : vector<576x128xf32>
    %slice3A_415 = vector.extract_strided_slice %dot_general3A_17 {offsets = [0, 1280], sizes = [576, 128], strides = [1, 1]} : vector<576x2048xf32> to vector<576x128xf32>
    %sub3A_416 = arith.subf %add3A_414, %slice3A_415 : vector<576x128xf32>
    %lt3A_417 = arith.cmpf olt, %sub3A_416, %select_n3A_403 : vector<576x128xf32>
    %select_n3A_418 = arith.select %lt3A_417, %sub3A_416, %select_n3A_403 : vector<576x128xi1>, vector<576x128xf32>
    %jit3A_419 = arith.constant 26 : i32
    %broadcast_in_dim3A_420 = vector.broadcast %jit3A_419 : i32 to vector<576x128xi32>
    %select_n3A_421 = arith.select %lt3A_417, %broadcast_in_dim3A_420, %select_n3A_406 : vector<576x128xi1>, vector<576x128xi32>
    %get3A_422 = arith.constant 0 : index
    %get3A_423 = arith.constant 3456 : index
    %get3A_424 = vector.load %arg5[%get3A_422, %get3A_423] : memref<1x8192xf32, #tpu.memory_space<vmem>>, vector<1x128xf32>
    %get3A_425 = vector.shape_cast %get3A_424 : vector<1x128xf32> to vector<128xf32>
    %broadcast_in_dim3A_426 = vector.shape_cast %get3A_425 : vector<128xf32> to vector<1x128xf32>
    %add3A_427 = vector.broadcast %broadcast_in_dim3A : vector<576x1xf32> to vector<576x128xf32>
    %add3A_428 = vector.broadcast %broadcast_in_dim3A_426 : vector<1x128xf32> to vector<576x128xf32>
    %add3A_429 = arith.addf %add3A_427, %add3A_428 : vector<576x128xf32>
    %slice3A_430 = vector.extract_strided_slice %dot_general3A_17 {offsets = [0, 1408], sizes = [576, 128], strides = [1, 1]} : vector<576x2048xf32> to vector<576x128xf32>
    %sub3A_431 = arith.subf %add3A_429, %slice3A_430 : vector<576x128xf32>
    %lt3A_432 = arith.cmpf olt, %sub3A_431, %select_n3A_418 : vector<576x128xf32>
    %select_n3A_433 = arith.select %lt3A_432, %sub3A_431, %select_n3A_418 : vector<576x128xi1>, vector<576x128xf32>
    %jit3A_434 = arith.constant 27 : i32
    %broadcast_in_dim3A_435 = vector.broadcast %jit3A_434 : i32 to vector<576x128xi32>
    %select_n3A_436 = arith.select %lt3A_432, %broadcast_in_dim3A_435, %select_n3A_421 : vector<576x128xi1>, vector<576x128xi32>
    %get3A_437 = arith.constant 0 : index
    %get3A_438 = arith.constant 3584 : index
    %get3A_439 = vector.load %arg5[%get3A_437, %get3A_438] : memref<1x8192xf32, #tpu.memory_space<vmem>>, vector<1x128xf32>
    %get3A_440 = vector.shape_cast %get3A_439 : vector<1x128xf32> to vector<128xf32>
    %broadcast_in_dim3A_441 = vector.shape_cast %get3A_440 : vector<128xf32> to vector<1x128xf32>
    %add3A_442 = vector.broadcast %broadcast_in_dim3A : vector<576x1xf32> to vector<576x128xf32>
    %add3A_443 = vector.broadcast %broadcast_in_dim3A_441 : vector<1x128xf32> to vector<576x128xf32>
    %add3A_444 = arith.addf %add3A_442, %add3A_443 : vector<576x128xf32>
    %slice3A_445 = vector.extract_strided_slice %dot_general3A_17 {offsets = [0, 1536], sizes = [576, 128], strides = [1, 1]} : vector<576x2048xf32> to vector<576x128xf32>
    %sub3A_446 = arith.subf %add3A_444, %slice3A_445 : vector<576x128xf32>
    %lt3A_447 = arith.cmpf olt, %sub3A_446, %select_n3A_433 : vector<576x128xf32>
    %select_n3A_448 = arith.select %lt3A_447, %sub3A_446, %select_n3A_433 : vector<576x128xi1>, vector<576x128xf32>
    %jit3A_449 = arith.constant 28 : i32
    %broadcast_in_dim3A_450 = vector.broadcast %jit3A_449 : i32 to vector<576x128xi32>
    %select_n3A_451 = arith.select %lt3A_447, %broadcast_in_dim3A_450, %select_n3A_436 : vector<576x128xi1>, vector<576x128xi32>
    %get3A_452 = arith.constant 0 : index
    %get3A_453 = arith.constant 3712 : index
    %get3A_454 = vector.load %arg5[%get3A_452, %get3A_453] : memref<1x8192xf32, #tpu.memory_space<vmem>>, vector<1x128xf32>
    %get3A_455 = vector.shape_cast %get3A_454 : vector<1x128xf32> to vector<128xf32>
    %broadcast_in_dim3A_456 = vector.shape_cast %get3A_455 : vector<128xf32> to vector<1x128xf32>
    %add3A_457 = vector.broadcast %broadcast_in_dim3A : vector<576x1xf32> to vector<576x128xf32>
    %add3A_458 = vector.broadcast %broadcast_in_dim3A_456 : vector<1x128xf32> to vector<576x128xf32>
    %add3A_459 = arith.addf %add3A_457, %add3A_458 : vector<576x128xf32>
    %slice3A_460 = vector.extract_strided_slice %dot_general3A_17 {offsets = [0, 1664], sizes = [576, 128], strides = [1, 1]} : vector<576x2048xf32> to vector<576x128xf32>
    %sub3A_461 = arith.subf %add3A_459, %slice3A_460 : vector<576x128xf32>
    %lt3A_462 = arith.cmpf olt, %sub3A_461, %select_n3A_448 : vector<576x128xf32>
    %select_n3A_463 = arith.select %lt3A_462, %sub3A_461, %select_n3A_448 : vector<576x128xi1>, vector<576x128xf32>
    %jit3A_464 = arith.constant 29 : i32
    %broadcast_in_dim3A_465 = vector.broadcast %jit3A_464 : i32 to vector<576x128xi32>
    %select_n3A_466 = arith.select %lt3A_462, %broadcast_in_dim3A_465, %select_n3A_451 : vector<576x128xi1>, vector<576x128xi32>
    %get3A_467 = arith.constant 0 : index
    %get3A_468 = arith.constant 3840 : index
    %get3A_469 = vector.load %arg5[%get3A_467, %get3A_468] : memref<1x8192xf32, #tpu.memory_space<vmem>>, vector<1x128xf32>
    %get3A_470 = vector.shape_cast %get3A_469 : vector<1x128xf32> to vector<128xf32>
    %broadcast_in_dim3A_471 = vector.shape_cast %get3A_470 : vector<128xf32> to vector<1x128xf32>
    %add3A_472 = vector.broadcast %broadcast_in_dim3A : vector<576x1xf32> to vector<576x128xf32>
    %add3A_473 = vector.broadcast %broadcast_in_dim3A_471 : vector<1x128xf32> to vector<576x128xf32>
    %add3A_474 = arith.addf %add3A_472, %add3A_473 : vector<576x128xf32>
    %slice3A_475 = vector.extract_strided_slice %dot_general3A_17 {offsets = [0, 1792], sizes = [576, 128], strides = [1, 1]} : vector<576x2048xf32> to vector<576x128xf32>
    %sub3A_476 = arith.subf %add3A_474, %slice3A_475 : vector<576x128xf32>
    %lt3A_477 = arith.cmpf olt, %sub3A_476, %select_n3A_463 : vector<576x128xf32>
    %select_n3A_478 = arith.select %lt3A_477, %sub3A_476, %select_n3A_463 : vector<576x128xi1>, vector<576x128xf32>
    %jit3A_479 = arith.constant 30 : i32
    %broadcast_in_dim3A_480 = vector.broadcast %jit3A_479 : i32 to vector<576x128xi32>
    %select_n3A_481 = arith.select %lt3A_477, %broadcast_in_dim3A_480, %select_n3A_466 : vector<576x128xi1>, vector<576x128xi32>
    %get3A_482 = arith.constant 0 : index
    %get3A_483 = arith.constant 3968 : index
    %get3A_484 = vector.load %arg5[%get3A_482, %get3A_483] : memref<1x8192xf32, #tpu.memory_space<vmem>>, vector<1x128xf32>
    %get3A_485 = vector.shape_cast %get3A_484 : vector<1x128xf32> to vector<128xf32>
    %broadcast_in_dim3A_486 = vector.shape_cast %get3A_485 : vector<128xf32> to vector<1x128xf32>
    %add3A_487 = vector.broadcast %broadcast_in_dim3A : vector<576x1xf32> to vector<576x128xf32>
    %add3A_488 = vector.broadcast %broadcast_in_dim3A_486 : vector<1x128xf32> to vector<576x128xf32>
    %add3A_489 = arith.addf %add3A_487, %add3A_488 : vector<576x128xf32>
    %slice3A_490 = vector.extract_strided_slice %dot_general3A_17 {offsets = [0, 1920], sizes = [576, 128], strides = [1, 1]} : vector<576x2048xf32> to vector<576x128xf32>
    %sub3A_491 = arith.subf %add3A_489, %slice3A_490 : vector<576x128xf32>
    %lt3A_492 = arith.cmpf olt, %sub3A_491, %select_n3A_478 : vector<576x128xf32>
    %select_n3A_493 = arith.select %lt3A_492, %sub3A_491, %select_n3A_478 : vector<576x128xi1>, vector<576x128xf32>
    %jit3A_494 = arith.constant 31 : i32
    %broadcast_in_dim3A_495 = vector.broadcast %jit3A_494 : i32 to vector<576x128xi32>
    %select_n3A_496 = arith.select %lt3A_492, %broadcast_in_dim3A_495, %select_n3A_481 : vector<576x128xi1>, vector<576x128xi32>
    %get3A_497 = arith.constant 6144 : index
    %get3A_498 = arith.constant 0 : index
    %get3A_499 = vector.load %arg6[%get3A_497, %get3A_498] : memref<8192x256xf32, #tpu.memory_space<vmem>>, vector<2048x256xf32>
    %dot_general3A_500 = arith.constant dense<0.000000e+00> : vector<576x2048xf32>
    %dot_general3A_501 = tpu.matmul %get3A_1, %get3A_499, %dot_general3A_500 {dimension_numbers = #tpu.dot_dimension_numbers<[1], [1], [0], [0], [0, 0, 1, 0], [], []>, transpose_lhs_hint = false} : vector<576x256xf32>, vector<2048x256xf32>, vector<576x2048xf32> -> vector<576x2048xf32>
    %get3A_502 = arith.constant 0 : index
    %get3A_503 = arith.constant 4096 : index
    %get3A_504 = vector.load %arg5[%get3A_502, %get3A_503] : memref<1x8192xf32, #tpu.memory_space<vmem>>, vector<1x128xf32>
    %get3A_505 = vector.shape_cast %get3A_504 : vector<1x128xf32> to vector<128xf32>
    %broadcast_in_dim3A_506 = vector.shape_cast %get3A_505 : vector<128xf32> to vector<1x128xf32>
    %add3A_507 = vector.broadcast %broadcast_in_dim3A : vector<576x1xf32> to vector<576x128xf32>
    %add3A_508 = vector.broadcast %broadcast_in_dim3A_506 : vector<1x128xf32> to vector<576x128xf32>
    %add3A_509 = arith.addf %add3A_507, %add3A_508 : vector<576x128xf32>
    %slice3A_510 = vector.extract_strided_slice %dot_general3A_256 {offsets = [0, 0], sizes = [576, 128], strides = [1, 1]} : vector<576x2048xf32> to vector<576x128xf32>
    %sub3A_511 = arith.subf %add3A_509, %slice3A_510 : vector<576x128xf32>
    %lt3A_512 = arith.cmpf olt, %sub3A_511, %select_n3A_493 : vector<576x128xf32>
    %select_n3A_513 = arith.select %lt3A_512, %sub3A_511, %select_n3A_493 : vector<576x128xi1>, vector<576x128xf32>
    %jit3A_514 = arith.constant 32 : i32
    %broadcast_in_dim3A_515 = vector.broadcast %jit3A_514 : i32 to vector<576x128xi32>
    %select_n3A_516 = arith.select %lt3A_512, %broadcast_in_dim3A_515, %select_n3A_496 : vector<576x128xi1>, vector<576x128xi32>
    %get3A_517 = arith.constant 0 : index
    %get3A_518 = arith.constant 4224 : index
    %get3A_519 = vector.load %arg5[%get3A_517, %get3A_518] : memref<1x8192xf32, #tpu.memory_space<vmem>>, vector<1x128xf32>
    %get3A_520 = vector.shape_cast %get3A_519 : vector<1x128xf32> to vector<128xf32>
    %broadcast_in_dim3A_521 = vector.shape_cast %get3A_520 : vector<128xf32> to vector<1x128xf32>
    %add3A_522 = vector.broadcast %broadcast_in_dim3A : vector<576x1xf32> to vector<576x128xf32>
    %add3A_523 = vector.broadcast %broadcast_in_dim3A_521 : vector<1x128xf32> to vector<576x128xf32>
    %add3A_524 = arith.addf %add3A_522, %add3A_523 : vector<576x128xf32>
    %slice3A_525 = vector.extract_strided_slice %dot_general3A_256 {offsets = [0, 128], sizes = [576, 128], strides = [1, 1]} : vector<576x2048xf32> to vector<576x128xf32>
    %sub3A_526 = arith.subf %add3A_524, %slice3A_525 : vector<576x128xf32>
    %lt3A_527 = arith.cmpf olt, %sub3A_526, %select_n3A_513 : vector<576x128xf32>
    %select_n3A_528 = arith.select %lt3A_527, %sub3A_526, %select_n3A_513 : vector<576x128xi1>, vector<576x128xf32>
    %jit3A_529 = arith.constant 33 : i32
    %broadcast_in_dim3A_530 = vector.broadcast %jit3A_529 : i32 to vector<576x128xi32>
    %select_n3A_531 = arith.select %lt3A_527, %broadcast_in_dim3A_530, %select_n3A_516 : vector<576x128xi1>, vector<576x128xi32>
    %get3A_532 = arith.constant 0 : index
    %get3A_533 = arith.constant 4352 : index
    %get3A_534 = vector.load %arg5[%get3A_532, %get3A_533] : memref<1x8192xf32, #tpu.memory_space<vmem>>, vector<1x128xf32>
    %get3A_535 = vector.shape_cast %get3A_534 : vector<1x128xf32> to vector<128xf32>
    %broadcast_in_dim3A_536 = vector.shape_cast %get3A_535 : vector<128xf32> to vector<1x128xf32>
    %add3A_537 = vector.broadcast %broadcast_in_dim3A : vector<576x1xf32> to vector<576x128xf32>
    %add3A_538 = vector.broadcast %broadcast_in_dim3A_536 : vector<1x128xf32> to vector<576x128xf32>
    %add3A_539 = arith.addf %add3A_537, %add3A_538 : vector<576x128xf32>
    %slice3A_540 = vector.extract_strided_slice %dot_general3A_256 {offsets = [0, 256], sizes = [576, 128], strides = [1, 1]} : vector<576x2048xf32> to vector<576x128xf32>
    %sub3A_541 = arith.subf %add3A_539, %slice3A_540 : vector<576x128xf32>
    %lt3A_542 = arith.cmpf olt, %sub3A_541, %select_n3A_528 : vector<576x128xf32>
    %select_n3A_543 = arith.select %lt3A_542, %sub3A_541, %select_n3A_528 : vector<576x128xi1>, vector<576x128xf32>
    %jit3A_544 = arith.constant 34 : i32
    %broadcast_in_dim3A_545 = vector.broadcast %jit3A_544 : i32 to vector<576x128xi32>
    %select_n3A_546 = arith.select %lt3A_542, %broadcast_in_dim3A_545, %select_n3A_531 : vector<576x128xi1>, vector<576x128xi32>
    %get3A_547 = arith.constant 0 : index
    %get3A_548 = arith.constant 4480 : index
    %get3A_549 = vector.load %arg5[%get3A_547, %get3A_548] : memref<1x8192xf32, #tpu.memory_space<vmem>>, vector<1x128xf32>
    %get3A_550 = vector.shape_cast %get3A_549 : vector<1x128xf32> to vector<128xf32>
    %broadcast_in_dim3A_551 = vector.shape_cast %get3A_550 : vector<128xf32> to vector<1x128xf32>
    %add3A_552 = vector.broadcast %broadcast_in_dim3A : vector<576x1xf32> to vector<576x128xf32>
    %add3A_553 = vector.broadcast %broadcast_in_dim3A_551 : vector<1x128xf32> to vector<576x128xf32>
    %add3A_554 = arith.addf %add3A_552, %add3A_553 : vector<576x128xf32>
    %slice3A_555 = vector.extract_strided_slice %dot_general3A_256 {offsets = [0, 384], sizes = [576, 128], strides = [1, 1]} : vector<576x2048xf32> to vector<576x128xf32>
    %sub3A_556 = arith.subf %add3A_554, %slice3A_555 : vector<576x128xf32>
    %lt3A_557 = arith.cmpf olt, %sub3A_556, %select_n3A_543 : vector<576x128xf32>
    %select_n3A_558 = arith.select %lt3A_557, %sub3A_556, %select_n3A_543 : vector<576x128xi1>, vector<576x128xf32>
    %jit3A_559 = arith.constant 35 : i32
    %broadcast_in_dim3A_560 = vector.broadcast %jit3A_559 : i32 to vector<576x128xi32>
    %select_n3A_561 = arith.select %lt3A_557, %broadcast_in_dim3A_560, %select_n3A_546 : vector<576x128xi1>, vector<576x128xi32>
    %get3A_562 = arith.constant 0 : index
    %get3A_563 = arith.constant 4608 : index
    %get3A_564 = vector.load %arg5[%get3A_562, %get3A_563] : memref<1x8192xf32, #tpu.memory_space<vmem>>, vector<1x128xf32>
    %get3A_565 = vector.shape_cast %get3A_564 : vector<1x128xf32> to vector<128xf32>
    %broadcast_in_dim3A_566 = vector.shape_cast %get3A_565 : vector<128xf32> to vector<1x128xf32>
    %add3A_567 = vector.broadcast %broadcast_in_dim3A : vector<576x1xf32> to vector<576x128xf32>
    %add3A_568 = vector.broadcast %broadcast_in_dim3A_566 : vector<1x128xf32> to vector<576x128xf32>
    %add3A_569 = arith.addf %add3A_567, %add3A_568 : vector<576x128xf32>
    %slice3A_570 = vector.extract_strided_slice %dot_general3A_256 {offsets = [0, 512], sizes = [576, 128], strides = [1, 1]} : vector<576x2048xf32> to vector<576x128xf32>
    %sub3A_571 = arith.subf %add3A_569, %slice3A_570 : vector<576x128xf32>
    %lt3A_572 = arith.cmpf olt, %sub3A_571, %select_n3A_558 : vector<576x128xf32>
    %select_n3A_573 = arith.select %lt3A_572, %sub3A_571, %select_n3A_558 : vector<576x128xi1>, vector<576x128xf32>
    %jit3A_574 = arith.constant 36 : i32
    %broadcast_in_dim3A_575 = vector.broadcast %jit3A_574 : i32 to vector<576x128xi32>
    %select_n3A_576 = arith.select %lt3A_572, %broadcast_in_dim3A_575, %select_n3A_561 : vector<576x128xi1>, vector<576x128xi32>
    %get3A_577 = arith.constant 0 : index
    %get3A_578 = arith.constant 4736 : index
    %get3A_579 = vector.load %arg5[%get3A_577, %get3A_578] : memref<1x8192xf32, #tpu.memory_space<vmem>>, vector<1x128xf32>
    %get3A_580 = vector.shape_cast %get3A_579 : vector<1x128xf32> to vector<128xf32>
    %broadcast_in_dim3A_581 = vector.shape_cast %get3A_580 : vector<128xf32> to vector<1x128xf32>
    %add3A_582 = vector.broadcast %broadcast_in_dim3A : vector<576x1xf32> to vector<576x128xf32>
    %add3A_583 = vector.broadcast %broadcast_in_dim3A_581 : vector<1x128xf32> to vector<576x128xf32>
    %add3A_584 = arith.addf %add3A_582, %add3A_583 : vector<576x128xf32>
    %slice3A_585 = vector.extract_strided_slice %dot_general3A_256 {offsets = [0, 640], sizes = [576, 128], strides = [1, 1]} : vector<576x2048xf32> to vector<576x128xf32>
    %sub3A_586 = arith.subf %add3A_584, %slice3A_585 : vector<576x128xf32>
    %lt3A_587 = arith.cmpf olt, %sub3A_586, %select_n3A_573 : vector<576x128xf32>
    %select_n3A_588 = arith.select %lt3A_587, %sub3A_586, %select_n3A_573 : vector<576x128xi1>, vector<576x128xf32>
    %jit3A_589 = arith.constant 37 : i32
    %broadcast_in_dim3A_590 = vector.broadcast %jit3A_589 : i32 to vector<576x128xi32>
    %select_n3A_591 = arith.select %lt3A_587, %broadcast_in_dim3A_590, %select_n3A_576 : vector<576x128xi1>, vector<576x128xi32>
    %get3A_592 = arith.constant 0 : index
    %get3A_593 = arith.constant 4864 : index
    %get3A_594 = vector.load %arg5[%get3A_592, %get3A_593] : memref<1x8192xf32, #tpu.memory_space<vmem>>, vector<1x128xf32>
    %get3A_595 = vector.shape_cast %get3A_594 : vector<1x128xf32> to vector<128xf32>
    %broadcast_in_dim3A_596 = vector.shape_cast %get3A_595 : vector<128xf32> to vector<1x128xf32>
    %add3A_597 = vector.broadcast %broadcast_in_dim3A : vector<576x1xf32> to vector<576x128xf32>
    %add3A_598 = vector.broadcast %broadcast_in_dim3A_596 : vector<1x128xf32> to vector<576x128xf32>
    %add3A_599 = arith.addf %add3A_597, %add3A_598 : vector<576x128xf32>
    %slice3A_600 = vector.extract_strided_slice %dot_general3A_256 {offsets = [0, 768], sizes = [576, 128], strides = [1, 1]} : vector<576x2048xf32> to vector<576x128xf32>
    %sub3A_601 = arith.subf %add3A_599, %slice3A_600 : vector<576x128xf32>
    %lt3A_602 = arith.cmpf olt, %sub3A_601, %select_n3A_588 : vector<576x128xf32>
    %select_n3A_603 = arith.select %lt3A_602, %sub3A_601, %select_n3A_588 : vector<576x128xi1>, vector<576x128xf32>
    %jit3A_604 = arith.constant 38 : i32
    %broadcast_in_dim3A_605 = vector.broadcast %jit3A_604 : i32 to vector<576x128xi32>
    %select_n3A_606 = arith.select %lt3A_602, %broadcast_in_dim3A_605, %select_n3A_591 : vector<576x128xi1>, vector<576x128xi32>
    %get3A_607 = arith.constant 0 : index
    %get3A_608 = arith.constant 4992 : index
    %get3A_609 = vector.load %arg5[%get3A_607, %get3A_608] : memref<1x8192xf32, #tpu.memory_space<vmem>>, vector<1x128xf32>
    %get3A_610 = vector.shape_cast %get3A_609 : vector<1x128xf32> to vector<128xf32>
    %broadcast_in_dim3A_611 = vector.shape_cast %get3A_610 : vector<128xf32> to vector<1x128xf32>
    %add3A_612 = vector.broadcast %broadcast_in_dim3A : vector<576x1xf32> to vector<576x128xf32>
    %add3A_613 = vector.broadcast %broadcast_in_dim3A_611 : vector<1x128xf32> to vector<576x128xf32>
    %add3A_614 = arith.addf %add3A_612, %add3A_613 : vector<576x128xf32>
    %slice3A_615 = vector.extract_strided_slice %dot_general3A_256 {offsets = [0, 896], sizes = [576, 128], strides = [1, 1]} : vector<576x2048xf32> to vector<576x128xf32>
    %sub3A_616 = arith.subf %add3A_614, %slice3A_615 : vector<576x128xf32>
    %lt3A_617 = arith.cmpf olt, %sub3A_616, %select_n3A_603 : vector<576x128xf32>
    %select_n3A_618 = arith.select %lt3A_617, %sub3A_616, %select_n3A_603 : vector<576x128xi1>, vector<576x128xf32>
    %jit3A_619 = arith.constant 39 : i32
    %broadcast_in_dim3A_620 = vector.broadcast %jit3A_619 : i32 to vector<576x128xi32>
    %select_n3A_621 = arith.select %lt3A_617, %broadcast_in_dim3A_620, %select_n3A_606 : vector<576x128xi1>, vector<576x128xi32>
    %get3A_622 = arith.constant 0 : index
    %get3A_623 = arith.constant 5120 : index
    %get3A_624 = vector.load %arg5[%get3A_622, %get3A_623] : memref<1x8192xf32, #tpu.memory_space<vmem>>, vector<1x128xf32>
    %get3A_625 = vector.shape_cast %get3A_624 : vector<1x128xf32> to vector<128xf32>
    %broadcast_in_dim3A_626 = vector.shape_cast %get3A_625 : vector<128xf32> to vector<1x128xf32>
    %add3A_627 = vector.broadcast %broadcast_in_dim3A : vector<576x1xf32> to vector<576x128xf32>
    %add3A_628 = vector.broadcast %broadcast_in_dim3A_626 : vector<1x128xf32> to vector<576x128xf32>
    %add3A_629 = arith.addf %add3A_627, %add3A_628 : vector<576x128xf32>
    %slice3A_630 = vector.extract_strided_slice %dot_general3A_256 {offsets = [0, 1024], sizes = [576, 128], strides = [1, 1]} : vector<576x2048xf32> to vector<576x128xf32>
    %sub3A_631 = arith.subf %add3A_629, %slice3A_630 : vector<576x128xf32>
    %lt3A_632 = arith.cmpf olt, %sub3A_631, %select_n3A_618 : vector<576x128xf32>
    %select_n3A_633 = arith.select %lt3A_632, %sub3A_631, %select_n3A_618 : vector<576x128xi1>, vector<576x128xf32>
    %jit3A_634 = arith.constant 40 : i32
    %broadcast_in_dim3A_635 = vector.broadcast %jit3A_634 : i32 to vector<576x128xi32>
    %select_n3A_636 = arith.select %lt3A_632, %broadcast_in_dim3A_635, %select_n3A_621 : vector<576x128xi1>, vector<576x128xi32>
    %get3A_637 = arith.constant 0 : index
    %get3A_638 = arith.constant 5248 : index
    %get3A_639 = vector.load %arg5[%get3A_637, %get3A_638] : memref<1x8192xf32, #tpu.memory_space<vmem>>, vector<1x128xf32>
    %get3A_640 = vector.shape_cast %get3A_639 : vector<1x128xf32> to vector<128xf32>
    %broadcast_in_dim3A_641 = vector.shape_cast %get3A_640 : vector<128xf32> to vector<1x128xf32>
    %add3A_642 = vector.broadcast %broadcast_in_dim3A : vector<576x1xf32> to vector<576x128xf32>
    %add3A_643 = vector.broadcast %broadcast_in_dim3A_641 : vector<1x128xf32> to vector<576x128xf32>
    %add3A_644 = arith.addf %add3A_642, %add3A_643 : vector<576x128xf32>
    %slice3A_645 = vector.extract_strided_slice %dot_general3A_256 {offsets = [0, 1152], sizes = [576, 128], strides = [1, 1]} : vector<576x2048xf32> to vector<576x128xf32>
    %sub3A_646 = arith.subf %add3A_644, %slice3A_645 : vector<576x128xf32>
    %lt3A_647 = arith.cmpf olt, %sub3A_646, %select_n3A_633 : vector<576x128xf32>
    %select_n3A_648 = arith.select %lt3A_647, %sub3A_646, %select_n3A_633 : vector<576x128xi1>, vector<576x128xf32>
    %jit3A_649 = arith.constant 41 : i32
    %broadcast_in_dim3A_650 = vector.broadcast %jit3A_649 : i32 to vector<576x128xi32>
    %select_n3A_651 = arith.select %lt3A_647, %broadcast_in_dim3A_650, %select_n3A_636 : vector<576x128xi1>, vector<576x128xi32>
    %get3A_652 = arith.constant 0 : index
    %get3A_653 = arith.constant 5376 : index
    %get3A_654 = vector.load %arg5[%get3A_652, %get3A_653] : memref<1x8192xf32, #tpu.memory_space<vmem>>, vector<1x128xf32>
    %get3A_655 = vector.shape_cast %get3A_654 : vector<1x128xf32> to vector<128xf32>
    %broadcast_in_dim3A_656 = vector.shape_cast %get3A_655 : vector<128xf32> to vector<1x128xf32>
    %add3A_657 = vector.broadcast %broadcast_in_dim3A : vector<576x1xf32> to vector<576x128xf32>
    %add3A_658 = vector.broadcast %broadcast_in_dim3A_656 : vector<1x128xf32> to vector<576x128xf32>
    %add3A_659 = arith.addf %add3A_657, %add3A_658 : vector<576x128xf32>
    %slice3A_660 = vector.extract_strided_slice %dot_general3A_256 {offsets = [0, 1280], sizes = [576, 128], strides = [1, 1]} : vector<576x2048xf32> to vector<576x128xf32>
    %sub3A_661 = arith.subf %add3A_659, %slice3A_660 : vector<576x128xf32>
    %lt3A_662 = arith.cmpf olt, %sub3A_661, %select_n3A_648 : vector<576x128xf32>
    %select_n3A_663 = arith.select %lt3A_662, %sub3A_661, %select_n3A_648 : vector<576x128xi1>, vector<576x128xf32>
    %jit3A_664 = arith.constant 42 : i32
    %broadcast_in_dim3A_665 = vector.broadcast %jit3A_664 : i32 to vector<576x128xi32>
    %select_n3A_666 = arith.select %lt3A_662, %broadcast_in_dim3A_665, %select_n3A_651 : vector<576x128xi1>, vector<576x128xi32>
    %get3A_667 = arith.constant 0 : index
    %get3A_668 = arith.constant 5504 : index
    %get3A_669 = vector.load %arg5[%get3A_667, %get3A_668] : memref<1x8192xf32, #tpu.memory_space<vmem>>, vector<1x128xf32>
    %get3A_670 = vector.shape_cast %get3A_669 : vector<1x128xf32> to vector<128xf32>
    %broadcast_in_dim3A_671 = vector.shape_cast %get3A_670 : vector<128xf32> to vector<1x128xf32>
    %add3A_672 = vector.broadcast %broadcast_in_dim3A : vector<576x1xf32> to vector<576x128xf32>
    %add3A_673 = vector.broadcast %broadcast_in_dim3A_671 : vector<1x128xf32> to vector<576x128xf32>
    %add3A_674 = arith.addf %add3A_672, %add3A_673 : vector<576x128xf32>
    %slice3A_675 = vector.extract_strided_slice %dot_general3A_256 {offsets = [0, 1408], sizes = [576, 128], strides = [1, 1]} : vector<576x2048xf32> to vector<576x128xf32>
    %sub3A_676 = arith.subf %add3A_674, %slice3A_675 : vector<576x128xf32>
    %lt3A_677 = arith.cmpf olt, %sub3A_676, %select_n3A_663 : vector<576x128xf32>
    %select_n3A_678 = arith.select %lt3A_677, %sub3A_676, %select_n3A_663 : vector<576x128xi1>, vector<576x128xf32>
    %jit3A_679 = arith.constant 43 : i32
    %broadcast_in_dim3A_680 = vector.broadcast %jit3A_679 : i32 to vector<576x128xi32>
    %select_n3A_681 = arith.select %lt3A_677, %broadcast_in_dim3A_680, %select_n3A_666 : vector<576x128xi1>, vector<576x128xi32>
    %get3A_682 = arith.constant 0 : index
    %get3A_683 = arith.constant 5632 : index
    %get3A_684 = vector.load %arg5[%get3A_682, %get3A_683] : memref<1x8192xf32, #tpu.memory_space<vmem>>, vector<1x128xf32>
    %get3A_685 = vector.shape_cast %get3A_684 : vector<1x128xf32> to vector<128xf32>
    %broadcast_in_dim3A_686 = vector.shape_cast %get3A_685 : vector<128xf32> to vector<1x128xf32>
    %add3A_687 = vector.broadcast %broadcast_in_dim3A : vector<576x1xf32> to vector<576x128xf32>
    %add3A_688 = vector.broadcast %broadcast_in_dim3A_686 : vector<1x128xf32> to vector<576x128xf32>
    %add3A_689 = arith.addf %add3A_687, %add3A_688 : vector<576x128xf32>
    %slice3A_690 = vector.extract_strided_slice %dot_general3A_256 {offsets = [0, 1536], sizes = [576, 128], strides = [1, 1]} : vector<576x2048xf32> to vector<576x128xf32>
    %sub3A_691 = arith.subf %add3A_689, %slice3A_690 : vector<576x128xf32>
    %lt3A_692 = arith.cmpf olt, %sub3A_691, %select_n3A_678 : vector<576x128xf32>
    %select_n3A_693 = arith.select %lt3A_692, %sub3A_691, %select_n3A_678 : vector<576x128xi1>, vector<576x128xf32>
    %jit3A_694 = arith.constant 44 : i32
    %broadcast_in_dim3A_695 = vector.broadcast %jit3A_694 : i32 to vector<576x128xi32>
    %select_n3A_696 = arith.select %lt3A_692, %broadcast_in_dim3A_695, %select_n3A_681 : vector<576x128xi1>, vector<576x128xi32>
    %get3A_697 = arith.constant 0 : index
    %get3A_698 = arith.constant 5760 : index
    %get3A_699 = vector.load %arg5[%get3A_697, %get3A_698] : memref<1x8192xf32, #tpu.memory_space<vmem>>, vector<1x128xf32>
    %get3A_700 = vector.shape_cast %get3A_699 : vector<1x128xf32> to vector<128xf32>
    %broadcast_in_dim3A_701 = vector.shape_cast %get3A_700 : vector<128xf32> to vector<1x128xf32>
    %add3A_702 = vector.broadcast %broadcast_in_dim3A : vector<576x1xf32> to vector<576x128xf32>
    %add3A_703 = vector.broadcast %broadcast_in_dim3A_701 : vector<1x128xf32> to vector<576x128xf32>
    %add3A_704 = arith.addf %add3A_702, %add3A_703 : vector<576x128xf32>
    %slice3A_705 = vector.extract_strided_slice %dot_general3A_256 {offsets = [0, 1664], sizes = [576, 128], strides = [1, 1]} : vector<576x2048xf32> to vector<576x128xf32>
    %sub3A_706 = arith.subf %add3A_704, %slice3A_705 : vector<576x128xf32>
    %lt3A_707 = arith.cmpf olt, %sub3A_706, %select_n3A_693 : vector<576x128xf32>
    %select_n3A_708 = arith.select %lt3A_707, %sub3A_706, %select_n3A_693 : vector<576x128xi1>, vector<576x128xf32>
    %jit3A_709 = arith.constant 45 : i32
    %broadcast_in_dim3A_710 = vector.broadcast %jit3A_709 : i32 to vector<576x128xi32>
    %select_n3A_711 = arith.select %lt3A_707, %broadcast_in_dim3A_710, %select_n3A_696 : vector<576x128xi1>, vector<576x128xi32>
    %get3A_712 = arith.constant 0 : index
    %get3A_713 = arith.constant 5888 : index
    %get3A_714 = vector.load %arg5[%get3A_712, %get3A_713] : memref<1x8192xf32, #tpu.memory_space<vmem>>, vector<1x128xf32>
    %get3A_715 = vector.shape_cast %get3A_714 : vector<1x128xf32> to vector<128xf32>
    %broadcast_in_dim3A_716 = vector.shape_cast %get3A_715 : vector<128xf32> to vector<1x128xf32>
    %add3A_717 = vector.broadcast %broadcast_in_dim3A : vector<576x1xf32> to vector<576x128xf32>
    %add3A_718 = vector.broadcast %broadcast_in_dim3A_716 : vector<1x128xf32> to vector<576x128xf32>
    %add3A_719 = arith.addf %add3A_717, %add3A_718 : vector<576x128xf32>
    %slice3A_720 = vector.extract_strided_slice %dot_general3A_256 {offsets = [0, 1792], sizes = [576, 128], strides = [1, 1]} : vector<576x2048xf32> to vector<576x128xf32>
    %sub3A_721 = arith.subf %add3A_719, %slice3A_720 : vector<576x128xf32>
    %lt3A_722 = arith.cmpf olt, %sub3A_721, %select_n3A_708 : vector<576x128xf32>
    %select_n3A_723 = arith.select %lt3A_722, %sub3A_721, %select_n3A_708 : vector<576x128xi1>, vector<576x128xf32>
    %jit3A_724 = arith.constant 46 : i32
    %broadcast_in_dim3A_725 = vector.broadcast %jit3A_724 : i32 to vector<576x128xi32>
    %select_n3A_726 = arith.select %lt3A_722, %broadcast_in_dim3A_725, %select_n3A_711 : vector<576x128xi1>, vector<576x128xi32>
    %get3A_727 = arith.constant 0 : index
    %get3A_728 = arith.constant 6016 : index
    %get3A_729 = vector.load %arg5[%get3A_727, %get3A_728] : memref<1x8192xf32, #tpu.memory_space<vmem>>, vector<1x128xf32>
    %get3A_730 = vector.shape_cast %get3A_729 : vector<1x128xf32> to vector<128xf32>
    %broadcast_in_dim3A_731 = vector.shape_cast %get3A_730 : vector<128xf32> to vector<1x128xf32>
    %add3A_732 = vector.broadcast %broadcast_in_dim3A : vector<576x1xf32> to vector<576x128xf32>
    %add3A_733 = vector.broadcast %broadcast_in_dim3A_731 : vector<1x128xf32> to vector<576x128xf32>
    %add3A_734 = arith.addf %add3A_732, %add3A_733 : vector<576x128xf32>
    %slice3A_735 = vector.extract_strided_slice %dot_general3A_256 {offsets = [0, 1920], sizes = [576, 128], strides = [1, 1]} : vector<576x2048xf32> to vector<576x128xf32>
    %sub3A_736 = arith.subf %add3A_734, %slice3A_735 : vector<576x128xf32>
    %lt3A_737 = arith.cmpf olt, %sub3A_736, %select_n3A_723 : vector<576x128xf32>
    %select_n3A_738 = arith.select %lt3A_737, %sub3A_736, %select_n3A_723 : vector<576x128xi1>, vector<576x128xf32>
    %jit3A_739 = arith.constant 47 : i32
    %broadcast_in_dim3A_740 = vector.broadcast %jit3A_739 : i32 to vector<576x128xi32>
    %select_n3A_741 = arith.select %lt3A_737, %broadcast_in_dim3A_740, %select_n3A_726 : vector<576x128xi1>, vector<576x128xi32>
    %get3A_742 = arith.constant 0 : index
    %get3A_743 = arith.constant 6144 : index
    %get3A_744 = vector.load %arg5[%get3A_742, %get3A_743] : memref<1x8192xf32, #tpu.memory_space<vmem>>, vector<1x128xf32>
    %get3A_745 = vector.shape_cast %get3A_744 : vector<1x128xf32> to vector<128xf32>
    %broadcast_in_dim3A_746 = vector.shape_cast %get3A_745 : vector<128xf32> to vector<1x128xf32>
    %add3A_747 = vector.broadcast %broadcast_in_dim3A : vector<576x1xf32> to vector<576x128xf32>
    %add3A_748 = vector.broadcast %broadcast_in_dim3A_746 : vector<1x128xf32> to vector<576x128xf32>
    %add3A_749 = arith.addf %add3A_747, %add3A_748 : vector<576x128xf32>
    %slice3A_750 = vector.extract_strided_slice %dot_general3A_501 {offsets = [0, 0], sizes = [576, 128], strides = [1, 1]} : vector<576x2048xf32> to vector<576x128xf32>
    %sub3A_751 = arith.subf %add3A_749, %slice3A_750 : vector<576x128xf32>
    %lt3A_752 = arith.cmpf olt, %sub3A_751, %select_n3A_738 : vector<576x128xf32>
    %select_n3A_753 = arith.select %lt3A_752, %sub3A_751, %select_n3A_738 : vector<576x128xi1>, vector<576x128xf32>
    %jit3A_754 = arith.constant 48 : i32
    %broadcast_in_dim3A_755 = vector.broadcast %jit3A_754 : i32 to vector<576x128xi32>
    %select_n3A_756 = arith.select %lt3A_752, %broadcast_in_dim3A_755, %select_n3A_741 : vector<576x128xi1>, vector<576x128xi32>
    %get3A_757 = arith.constant 0 : index
    %get3A_758 = arith.constant 6272 : index
    %get3A_759 = vector.load %arg5[%get3A_757, %get3A_758] : memref<1x8192xf32, #tpu.memory_space<vmem>>, vector<1x128xf32>
    %get3A_760 = vector.shape_cast %get3A_759 : vector<1x128xf32> to vector<128xf32>
    %broadcast_in_dim3A_761 = vector.shape_cast %get3A_760 : vector<128xf32> to vector<1x128xf32>
    %add3A_762 = vector.broadcast %broadcast_in_dim3A : vector<576x1xf32> to vector<576x128xf32>
    %add3A_763 = vector.broadcast %broadcast_in_dim3A_761 : vector<1x128xf32> to vector<576x128xf32>
    %add3A_764 = arith.addf %add3A_762, %add3A_763 : vector<576x128xf32>
    %slice3A_765 = vector.extract_strided_slice %dot_general3A_501 {offsets = [0, 128], sizes = [576, 128], strides = [1, 1]} : vector<576x2048xf32> to vector<576x128xf32>
    %sub3A_766 = arith.subf %add3A_764, %slice3A_765 : vector<576x128xf32>
    %lt3A_767 = arith.cmpf olt, %sub3A_766, %select_n3A_753 : vector<576x128xf32>
    %select_n3A_768 = arith.select %lt3A_767, %sub3A_766, %select_n3A_753 : vector<576x128xi1>, vector<576x128xf32>
    %jit3A_769 = arith.constant 49 : i32
    %broadcast_in_dim3A_770 = vector.broadcast %jit3A_769 : i32 to vector<576x128xi32>
    %select_n3A_771 = arith.select %lt3A_767, %broadcast_in_dim3A_770, %select_n3A_756 : vector<576x128xi1>, vector<576x128xi32>
    %get3A_772 = arith.constant 0 : index
    %get3A_773 = arith.constant 6400 : index
    %get3A_774 = vector.load %arg5[%get3A_772, %get3A_773] : memref<1x8192xf32, #tpu.memory_space<vmem>>, vector<1x128xf32>
    %get3A_775 = vector.shape_cast %get3A_774 : vector<1x128xf32> to vector<128xf32>
    %broadcast_in_dim3A_776 = vector.shape_cast %get3A_775 : vector<128xf32> to vector<1x128xf32>
    %add3A_777 = vector.broadcast %broadcast_in_dim3A : vector<576x1xf32> to vector<576x128xf32>
    %add3A_778 = vector.broadcast %broadcast_in_dim3A_776 : vector<1x128xf32> to vector<576x128xf32>
    %add3A_779 = arith.addf %add3A_777, %add3A_778 : vector<576x128xf32>
    %slice3A_780 = vector.extract_strided_slice %dot_general3A_501 {offsets = [0, 256], sizes = [576, 128], strides = [1, 1]} : vector<576x2048xf32> to vector<576x128xf32>
    %sub3A_781 = arith.subf %add3A_779, %slice3A_780 : vector<576x128xf32>
    %lt3A_782 = arith.cmpf olt, %sub3A_781, %select_n3A_768 : vector<576x128xf32>
    %select_n3A_783 = arith.select %lt3A_782, %sub3A_781, %select_n3A_768 : vector<576x128xi1>, vector<576x128xf32>
    %jit3A_784 = arith.constant 50 : i32
    %broadcast_in_dim3A_785 = vector.broadcast %jit3A_784 : i32 to vector<576x128xi32>
    %select_n3A_786 = arith.select %lt3A_782, %broadcast_in_dim3A_785, %select_n3A_771 : vector<576x128xi1>, vector<576x128xi32>
    %get3A_787 = arith.constant 0 : index
    %get3A_788 = arith.constant 6528 : index
    %get3A_789 = vector.load %arg5[%get3A_787, %get3A_788] : memref<1x8192xf32, #tpu.memory_space<vmem>>, vector<1x128xf32>
    %get3A_790 = vector.shape_cast %get3A_789 : vector<1x128xf32> to vector<128xf32>
    %broadcast_in_dim3A_791 = vector.shape_cast %get3A_790 : vector<128xf32> to vector<1x128xf32>
    %add3A_792 = vector.broadcast %broadcast_in_dim3A : vector<576x1xf32> to vector<576x128xf32>
    %add3A_793 = vector.broadcast %broadcast_in_dim3A_791 : vector<1x128xf32> to vector<576x128xf32>
    %add3A_794 = arith.addf %add3A_792, %add3A_793 : vector<576x128xf32>
    %slice3A_795 = vector.extract_strided_slice %dot_general3A_501 {offsets = [0, 384], sizes = [576, 128], strides = [1, 1]} : vector<576x2048xf32> to vector<576x128xf32>
    %sub3A_796 = arith.subf %add3A_794, %slice3A_795 : vector<576x128xf32>
    %lt3A_797 = arith.cmpf olt, %sub3A_796, %select_n3A_783 : vector<576x128xf32>
    %select_n3A_798 = arith.select %lt3A_797, %sub3A_796, %select_n3A_783 : vector<576x128xi1>, vector<576x128xf32>
    %jit3A_799 = arith.constant 51 : i32
    %broadcast_in_dim3A_800 = vector.broadcast %jit3A_799 : i32 to vector<576x128xi32>
    %select_n3A_801 = arith.select %lt3A_797, %broadcast_in_dim3A_800, %select_n3A_786 : vector<576x128xi1>, vector<576x128xi32>
    %get3A_802 = arith.constant 0 : index
    %get3A_803 = arith.constant 6656 : index
    %get3A_804 = vector.load %arg5[%get3A_802, %get3A_803] : memref<1x8192xf32, #tpu.memory_space<vmem>>, vector<1x128xf32>
    %get3A_805 = vector.shape_cast %get3A_804 : vector<1x128xf32> to vector<128xf32>
    %broadcast_in_dim3A_806 = vector.shape_cast %get3A_805 : vector<128xf32> to vector<1x128xf32>
    %add3A_807 = vector.broadcast %broadcast_in_dim3A : vector<576x1xf32> to vector<576x128xf32>
    %add3A_808 = vector.broadcast %broadcast_in_dim3A_806 : vector<1x128xf32> to vector<576x128xf32>
    %add3A_809 = arith.addf %add3A_807, %add3A_808 : vector<576x128xf32>
    %slice3A_810 = vector.extract_strided_slice %dot_general3A_501 {offsets = [0, 512], sizes = [576, 128], strides = [1, 1]} : vector<576x2048xf32> to vector<576x128xf32>
    %sub3A_811 = arith.subf %add3A_809, %slice3A_810 : vector<576x128xf32>
    %lt3A_812 = arith.cmpf olt, %sub3A_811, %select_n3A_798 : vector<576x128xf32>
    %select_n3A_813 = arith.select %lt3A_812, %sub3A_811, %select_n3A_798 : vector<576x128xi1>, vector<576x128xf32>
    %jit3A_814 = arith.constant 52 : i32
    %broadcast_in_dim3A_815 = vector.broadcast %jit3A_814 : i32 to vector<576x128xi32>
    %select_n3A_816 = arith.select %lt3A_812, %broadcast_in_dim3A_815, %select_n3A_801 : vector<576x128xi1>, vector<576x128xi32>
    %get3A_817 = arith.constant 0 : index
    %get3A_818 = arith.constant 6784 : index
    %get3A_819 = vector.load %arg5[%get3A_817, %get3A_818] : memref<1x8192xf32, #tpu.memory_space<vmem>>, vector<1x128xf32>
    %get3A_820 = vector.shape_cast %get3A_819 : vector<1x128xf32> to vector<128xf32>
    %broadcast_in_dim3A_821 = vector.shape_cast %get3A_820 : vector<128xf32> to vector<1x128xf32>
    %add3A_822 = vector.broadcast %broadcast_in_dim3A : vector<576x1xf32> to vector<576x128xf32>
    %add3A_823 = vector.broadcast %broadcast_in_dim3A_821 : vector<1x128xf32> to vector<576x128xf32>
    %add3A_824 = arith.addf %add3A_822, %add3A_823 : vector<576x128xf32>
    %slice3A_825 = vector.extract_strided_slice %dot_general3A_501 {offsets = [0, 640], sizes = [576, 128], strides = [1, 1]} : vector<576x2048xf32> to vector<576x128xf32>
    %sub3A_826 = arith.subf %add3A_824, %slice3A_825 : vector<576x128xf32>
    %lt3A_827 = arith.cmpf olt, %sub3A_826, %select_n3A_813 : vector<576x128xf32>
    %select_n3A_828 = arith.select %lt3A_827, %sub3A_826, %select_n3A_813 : vector<576x128xi1>, vector<576x128xf32>
    %jit3A_829 = arith.constant 53 : i32
    %broadcast_in_dim3A_830 = vector.broadcast %jit3A_829 : i32 to vector<576x128xi32>
    %select_n3A_831 = arith.select %lt3A_827, %broadcast_in_dim3A_830, %select_n3A_816 : vector<576x128xi1>, vector<576x128xi32>
    %get3A_832 = arith.constant 0 : index
    %get3A_833 = arith.constant 6912 : index
    %get3A_834 = vector.load %arg5[%get3A_832, %get3A_833] : memref<1x8192xf32, #tpu.memory_space<vmem>>, vector<1x128xf32>
    %get3A_835 = vector.shape_cast %get3A_834 : vector<1x128xf32> to vector<128xf32>
    %broadcast_in_dim3A_836 = vector.shape_cast %get3A_835 : vector<128xf32> to vector<1x128xf32>
    %add3A_837 = vector.broadcast %broadcast_in_dim3A : vector<576x1xf32> to vector<576x128xf32>
    %add3A_838 = vector.broadcast %broadcast_in_dim3A_836 : vector<1x128xf32> to vector<576x128xf32>
    %add3A_839 = arith.addf %add3A_837, %add3A_838 : vector<576x128xf32>
    %slice3A_840 = vector.extract_strided_slice %dot_general3A_501 {offsets = [0, 768], sizes = [576, 128], strides = [1, 1]} : vector<576x2048xf32> to vector<576x128xf32>
    %sub3A_841 = arith.subf %add3A_839, %slice3A_840 : vector<576x128xf32>
    %lt3A_842 = arith.cmpf olt, %sub3A_841, %select_n3A_828 : vector<576x128xf32>
    %select_n3A_843 = arith.select %lt3A_842, %sub3A_841, %select_n3A_828 : vector<576x128xi1>, vector<576x128xf32>
    %jit3A_844 = arith.constant 54 : i32
    %broadcast_in_dim3A_845 = vector.broadcast %jit3A_844 : i32 to vector<576x128xi32>
    %select_n3A_846 = arith.select %lt3A_842, %broadcast_in_dim3A_845, %select_n3A_831 : vector<576x128xi1>, vector<576x128xi32>
    %get3A_847 = arith.constant 0 : index
    %get3A_848 = arith.constant 7040 : index
    %get3A_849 = vector.load %arg5[%get3A_847, %get3A_848] : memref<1x8192xf32, #tpu.memory_space<vmem>>, vector<1x128xf32>
    %get3A_850 = vector.shape_cast %get3A_849 : vector<1x128xf32> to vector<128xf32>
    %broadcast_in_dim3A_851 = vector.shape_cast %get3A_850 : vector<128xf32> to vector<1x128xf32>
    %add3A_852 = vector.broadcast %broadcast_in_dim3A : vector<576x1xf32> to vector<576x128xf32>
    %add3A_853 = vector.broadcast %broadcast_in_dim3A_851 : vector<1x128xf32> to vector<576x128xf32>
    %add3A_854 = arith.addf %add3A_852, %add3A_853 : vector<576x128xf32>
    %slice3A_855 = vector.extract_strided_slice %dot_general3A_501 {offsets = [0, 896], sizes = [576, 128], strides = [1, 1]} : vector<576x2048xf32> to vector<576x128xf32>
    %sub3A_856 = arith.subf %add3A_854, %slice3A_855 : vector<576x128xf32>
    %lt3A_857 = arith.cmpf olt, %sub3A_856, %select_n3A_843 : vector<576x128xf32>
    %select_n3A_858 = arith.select %lt3A_857, %sub3A_856, %select_n3A_843 : vector<576x128xi1>, vector<576x128xf32>
    %jit3A_859 = arith.constant 55 : i32
    %broadcast_in_dim3A_860 = vector.broadcast %jit3A_859 : i32 to vector<576x128xi32>
    %select_n3A_861 = arith.select %lt3A_857, %broadcast_in_dim3A_860, %select_n3A_846 : vector<576x128xi1>, vector<576x128xi32>
    %get3A_862 = arith.constant 0 : index
    %get3A_863 = arith.constant 7168 : index
    %get3A_864 = vector.load %arg5[%get3A_862, %get3A_863] : memref<1x8192xf32, #tpu.memory_space<vmem>>, vector<1x128xf32>
    %get3A_865 = vector.shape_cast %get3A_864 : vector<1x128xf32> to vector<128xf32>
    %broadcast_in_dim3A_866 = vector.shape_cast %get3A_865 : vector<128xf32> to vector<1x128xf32>
    %add3A_867 = vector.broadcast %broadcast_in_dim3A : vector<576x1xf32> to vector<576x128xf32>
    %add3A_868 = vector.broadcast %broadcast_in_dim3A_866 : vector<1x128xf32> to vector<576x128xf32>
    %add3A_869 = arith.addf %add3A_867, %add3A_868 : vector<576x128xf32>
    %slice3A_870 = vector.extract_strided_slice %dot_general3A_501 {offsets = [0, 1024], sizes = [576, 128], strides = [1, 1]} : vector<576x2048xf32> to vector<576x128xf32>
    %sub3A_871 = arith.subf %add3A_869, %slice3A_870 : vector<576x128xf32>
    %lt3A_872 = arith.cmpf olt, %sub3A_871, %select_n3A_858 : vector<576x128xf32>
    %select_n3A_873 = arith.select %lt3A_872, %sub3A_871, %select_n3A_858 : vector<576x128xi1>, vector<576x128xf32>
    %jit3A_874 = arith.constant 56 : i32
    %broadcast_in_dim3A_875 = vector.broadcast %jit3A_874 : i32 to vector<576x128xi32>
    %select_n3A_876 = arith.select %lt3A_872, %broadcast_in_dim3A_875, %select_n3A_861 : vector<576x128xi1>, vector<576x128xi32>
    %get3A_877 = arith.constant 0 : index
    %get3A_878 = arith.constant 7296 : index
    %get3A_879 = vector.load %arg5[%get3A_877, %get3A_878] : memref<1x8192xf32, #tpu.memory_space<vmem>>, vector<1x128xf32>
    %get3A_880 = vector.shape_cast %get3A_879 : vector<1x128xf32> to vector<128xf32>
    %broadcast_in_dim3A_881 = vector.shape_cast %get3A_880 : vector<128xf32> to vector<1x128xf32>
    %add3A_882 = vector.broadcast %broadcast_in_dim3A : vector<576x1xf32> to vector<576x128xf32>
    %add3A_883 = vector.broadcast %broadcast_in_dim3A_881 : vector<1x128xf32> to vector<576x128xf32>
    %add3A_884 = arith.addf %add3A_882, %add3A_883 : vector<576x128xf32>
    %slice3A_885 = vector.extract_strided_slice %dot_general3A_501 {offsets = [0, 1152], sizes = [576, 128], strides = [1, 1]} : vector<576x2048xf32> to vector<576x128xf32>
    %sub3A_886 = arith.subf %add3A_884, %slice3A_885 : vector<576x128xf32>
    %lt3A_887 = arith.cmpf olt, %sub3A_886, %select_n3A_873 : vector<576x128xf32>
    %select_n3A_888 = arith.select %lt3A_887, %sub3A_886, %select_n3A_873 : vector<576x128xi1>, vector<576x128xf32>
    %jit3A_889 = arith.constant 57 : i32
    %broadcast_in_dim3A_890 = vector.broadcast %jit3A_889 : i32 to vector<576x128xi32>
    %select_n3A_891 = arith.select %lt3A_887, %broadcast_in_dim3A_890, %select_n3A_876 : vector<576x128xi1>, vector<576x128xi32>
    %get3A_892 = arith.constant 0 : index
    %get3A_893 = arith.constant 7424 : index
    %get3A_894 = vector.load %arg5[%get3A_892, %get3A_893] : memref<1x8192xf32, #tpu.memory_space<vmem>>, vector<1x128xf32>
    %get3A_895 = vector.shape_cast %get3A_894 : vector<1x128xf32> to vector<128xf32>
    %broadcast_in_dim3A_896 = vector.shape_cast %get3A_895 : vector<128xf32> to vector<1x128xf32>
    %add3A_897 = vector.broadcast %broadcast_in_dim3A : vector<576x1xf32> to vector<576x128xf32>
    %add3A_898 = vector.broadcast %broadcast_in_dim3A_896 : vector<1x128xf32> to vector<576x128xf32>
    %add3A_899 = arith.addf %add3A_897, %add3A_898 : vector<576x128xf32>
    %slice3A_900 = vector.extract_strided_slice %dot_general3A_501 {offsets = [0, 1280], sizes = [576, 128], strides = [1, 1]} : vector<576x2048xf32> to vector<576x128xf32>
    %sub3A_901 = arith.subf %add3A_899, %slice3A_900 : vector<576x128xf32>
    %lt3A_902 = arith.cmpf olt, %sub3A_901, %select_n3A_888 : vector<576x128xf32>
    %select_n3A_903 = arith.select %lt3A_902, %sub3A_901, %select_n3A_888 : vector<576x128xi1>, vector<576x128xf32>
    %jit3A_904 = arith.constant 58 : i32
    %broadcast_in_dim3A_905 = vector.broadcast %jit3A_904 : i32 to vector<576x128xi32>
    %select_n3A_906 = arith.select %lt3A_902, %broadcast_in_dim3A_905, %select_n3A_891 : vector<576x128xi1>, vector<576x128xi32>
    %get3A_907 = arith.constant 0 : index
    %get3A_908 = arith.constant 7552 : index
    %get3A_909 = vector.load %arg5[%get3A_907, %get3A_908] : memref<1x8192xf32, #tpu.memory_space<vmem>>, vector<1x128xf32>
    %get3A_910 = vector.shape_cast %get3A_909 : vector<1x128xf32> to vector<128xf32>
    %broadcast_in_dim3A_911 = vector.shape_cast %get3A_910 : vector<128xf32> to vector<1x128xf32>
    %add3A_912 = vector.broadcast %broadcast_in_dim3A : vector<576x1xf32> to vector<576x128xf32>
    %add3A_913 = vector.broadcast %broadcast_in_dim3A_911 : vector<1x128xf32> to vector<576x128xf32>
    %add3A_914 = arith.addf %add3A_912, %add3A_913 : vector<576x128xf32>
    %slice3A_915 = vector.extract_strided_slice %dot_general3A_501 {offsets = [0, 1408], sizes = [576, 128], strides = [1, 1]} : vector<576x2048xf32> to vector<576x128xf32>
    %sub3A_916 = arith.subf %add3A_914, %slice3A_915 : vector<576x128xf32>
    %lt3A_917 = arith.cmpf olt, %sub3A_916, %select_n3A_903 : vector<576x128xf32>
    %select_n3A_918 = arith.select %lt3A_917, %sub3A_916, %select_n3A_903 : vector<576x128xi1>, vector<576x128xf32>
    %jit3A_919 = arith.constant 59 : i32
    %broadcast_in_dim3A_920 = vector.broadcast %jit3A_919 : i32 to vector<576x128xi32>
    %select_n3A_921 = arith.select %lt3A_917, %broadcast_in_dim3A_920, %select_n3A_906 : vector<576x128xi1>, vector<576x128xi32>
    %get3A_922 = arith.constant 0 : index
    %get3A_923 = arith.constant 7680 : index
    %get3A_924 = vector.load %arg5[%get3A_922, %get3A_923] : memref<1x8192xf32, #tpu.memory_space<vmem>>, vector<1x128xf32>
    %get3A_925 = vector.shape_cast %get3A_924 : vector<1x128xf32> to vector<128xf32>
    %broadcast_in_dim3A_926 = vector.shape_cast %get3A_925 : vector<128xf32> to vector<1x128xf32>
    %add3A_927 = vector.broadcast %broadcast_in_dim3A : vector<576x1xf32> to vector<576x128xf32>
    %add3A_928 = vector.broadcast %broadcast_in_dim3A_926 : vector<1x128xf32> to vector<576x128xf32>
    %add3A_929 = arith.addf %add3A_927, %add3A_928 : vector<576x128xf32>
    %slice3A_930 = vector.extract_strided_slice %dot_general3A_501 {offsets = [0, 1536], sizes = [576, 128], strides = [1, 1]} : vector<576x2048xf32> to vector<576x128xf32>
    %sub3A_931 = arith.subf %add3A_929, %slice3A_930 : vector<576x128xf32>
    %lt3A_932 = arith.cmpf olt, %sub3A_931, %select_n3A_918 : vector<576x128xf32>
    %select_n3A_933 = arith.select %lt3A_932, %sub3A_931, %select_n3A_918 : vector<576x128xi1>, vector<576x128xf32>
    %jit3A_934 = arith.constant 60 : i32
    %broadcast_in_dim3A_935 = vector.broadcast %jit3A_934 : i32 to vector<576x128xi32>
    %select_n3A_936 = arith.select %lt3A_932, %broadcast_in_dim3A_935, %select_n3A_921 : vector<576x128xi1>, vector<576x128xi32>
    %get3A_937 = arith.constant 0 : index
    %get3A_938 = arith.constant 7808 : index
    %get3A_939 = vector.load %arg5[%get3A_937, %get3A_938] : memref<1x8192xf32, #tpu.memory_space<vmem>>, vector<1x128xf32>
    %get3A_940 = vector.shape_cast %get3A_939 : vector<1x128xf32> to vector<128xf32>
    %broadcast_in_dim3A_941 = vector.shape_cast %get3A_940 : vector<128xf32> to vector<1x128xf32>
    %add3A_942 = vector.broadcast %broadcast_in_dim3A : vector<576x1xf32> to vector<576x128xf32>
    %add3A_943 = vector.broadcast %broadcast_in_dim3A_941 : vector<1x128xf32> to vector<576x128xf32>
    %add3A_944 = arith.addf %add3A_942, %add3A_943 : vector<576x128xf32>
    %slice3A_945 = vector.extract_strided_slice %dot_general3A_501 {offsets = [0, 1664], sizes = [576, 128], strides = [1, 1]} : vector<576x2048xf32> to vector<576x128xf32>
    %sub3A_946 = arith.subf %add3A_944, %slice3A_945 : vector<576x128xf32>
    %lt3A_947 = arith.cmpf olt, %sub3A_946, %select_n3A_933 : vector<576x128xf32>
    %select_n3A_948 = arith.select %lt3A_947, %sub3A_946, %select_n3A_933 : vector<576x128xi1>, vector<576x128xf32>
    %jit3A_949 = arith.constant 61 : i32
    %broadcast_in_dim3A_950 = vector.broadcast %jit3A_949 : i32 to vector<576x128xi32>
    %select_n3A_951 = arith.select %lt3A_947, %broadcast_in_dim3A_950, %select_n3A_936 : vector<576x128xi1>, vector<576x128xi32>
    %get3A_952 = arith.constant 0 : index
    %get3A_953 = arith.constant 7936 : index
    %get3A_954 = vector.load %arg5[%get3A_952, %get3A_953] : memref<1x8192xf32, #tpu.memory_space<vmem>>, vector<1x128xf32>
    %get3A_955 = vector.shape_cast %get3A_954 : vector<1x128xf32> to vector<128xf32>
    %broadcast_in_dim3A_956 = vector.shape_cast %get3A_955 : vector<128xf32> to vector<1x128xf32>
    %add3A_957 = vector.broadcast %broadcast_in_dim3A : vector<576x1xf32> to vector<576x128xf32>
    %add3A_958 = vector.broadcast %broadcast_in_dim3A_956 : vector<1x128xf32> to vector<576x128xf32>
    %add3A_959 = arith.addf %add3A_957, %add3A_958 : vector<576x128xf32>
    %slice3A_960 = vector.extract_strided_slice %dot_general3A_501 {offsets = [0, 1792], sizes = [576, 128], strides = [1, 1]} : vector<576x2048xf32> to vector<576x128xf32>
    %sub3A_961 = arith.subf %add3A_959, %slice3A_960 : vector<576x128xf32>
    %lt3A_962 = arith.cmpf olt, %sub3A_961, %select_n3A_948 : vector<576x128xf32>
    %select_n3A_963 = arith.select %lt3A_962, %sub3A_961, %select_n3A_948 : vector<576x128xi1>, vector<576x128xf32>
    %jit3A_964 = arith.constant 62 : i32
    %broadcast_in_dim3A_965 = vector.broadcast %jit3A_964 : i32 to vector<576x128xi32>
    %select_n3A_966 = arith.select %lt3A_962, %broadcast_in_dim3A_965, %select_n3A_951 : vector<576x128xi1>, vector<576x128xi32>
    %get3A_967 = arith.constant 0 : index
    %get3A_968 = arith.constant 8064 : index
    %get3A_969 = vector.load %arg5[%get3A_967, %get3A_968] : memref<1x8192xf32, #tpu.memory_space<vmem>>, vector<1x128xf32>
    %get3A_970 = vector.shape_cast %get3A_969 : vector<1x128xf32> to vector<128xf32>
    %broadcast_in_dim3A_971 = vector.shape_cast %get3A_970 : vector<128xf32> to vector<1x128xf32>
    %add3A_972 = vector.broadcast %broadcast_in_dim3A : vector<576x1xf32> to vector<576x128xf32>
    %add3A_973 = vector.broadcast %broadcast_in_dim3A_971 : vector<1x128xf32> to vector<576x128xf32>
    %add3A_974 = arith.addf %add3A_972, %add3A_973 : vector<576x128xf32>
    %slice3A_975 = vector.extract_strided_slice %dot_general3A_501 {offsets = [0, 1920], sizes = [576, 128], strides = [1, 1]} : vector<576x2048xf32> to vector<576x128xf32>
    %sub3A_976 = arith.subf %add3A_974, %slice3A_975 : vector<576x128xf32>
    %lt3A_977 = arith.cmpf olt, %sub3A_976, %select_n3A_963 : vector<576x128xf32>
    %select_n3A_978 = arith.select %lt3A_977, %sub3A_976, %select_n3A_963 : vector<576x128xi1>, vector<576x128xf32>
    %jit3A_979 = arith.constant 63 : i32
    %broadcast_in_dim3A_980 = vector.broadcast %jit3A_979 : i32 to vector<576x128xi32>
    %select_n3A_981 = arith.select %lt3A_977, %broadcast_in_dim3A_980, %select_n3A_966 : vector<576x128xi1>, vector<576x128xi32>
    %reduce_min3A = arith.constant dense<0x7F800000> : vector<576xf32>
    %reduce_min3A_982 = vector.multi_reduction <minimumf>, %select_n3A_978, %reduce_min3A [1] : vector<576x128xf32> to vector<576xf32>
    %broadcast_in_dim3A_983 = vector.shape_cast %reduce_min3A_982 : vector<576xf32> to vector<576x1xf32>
    %mul3A_984 = arith.constant 128 : i32
    %mul3A_985 = vector.broadcast %mul3A_984 : i32 to vector<576x128xi32>
    %mul3A_986 = arith.muli %select_n3A_981, %mul3A_985 : vector<576x128xi32>
    %iota3A = tpu.iota {dimensions = array<i32: 1>} : vector<576x128xi32>
    %add3A_987 = arith.addi %mul3A_986, %iota3A : vector<576x128xi32>
    %eq3A_988 = vector.broadcast %broadcast_in_dim3A_983 : vector<576x1xf32> to vector<576x128xf32>
    %eq3A_989 = arith.cmpf oeq, %select_n3A_978, %eq3A_988 : vector<576x128xf32>
    %jit3A_990 = arith.constant 8192 : i32
    %broadcast_in_dim3A_991 = vector.broadcast %jit3A_990 : i32 to vector<576x128xi32>
    %select_n3A_992 = arith.select %eq3A_989, %add3A_987, %broadcast_in_dim3A_991 : vector<576x128xi1>, vector<576x128xi32>
    %reduce_min3A_993 = arith.constant dense<2147483647> : vector<576xi32>
    %reduce_min3A_994 = vector.multi_reduction <minsi>, %select_n3A_992, %reduce_min3A_993 [1] : vector<576x128xi32> to vector<576xi32>
    %reshape3A = vector.shape_cast %reduce_min3A_994 : vector<576xi32> to vector<1x1x576xi32>
    %swap3A = arith.constant 0 : index
    %swap3A_995 = arith.constant 0 : index
    %swap3A_996 = arith.constant 0 : index
    %swap3A_997 = vector.load %arg3[%swap3A, %swap3A_995, %swap3A_996] : memref<1x1x576xi32, #tpu.memory_space<vmem>>, vector<1x1x576xi32>
    tpu.vector_store %arg3[%swap3A, %swap3A_995, %swap3A_996], %reshape3A {strides = array<i32>} : memref<1x1x576xi32, #tpu.memory_space<vmem>>, vector<1x1x576xi32>,
    %reduce_sum3A_998 = vector.shape_cast %broadcast_in_dim3A_983 : vector<576x1xf32> to vector<1x576x1xf32>
    %reduce_sum3A_999 = arith.constant dense<0.000000e+00> : vector<1xf32>
    %reduce_sum3A_1000 = vector.multi_reduction <add>, %reduce_sum3A_998, %reduce_sum3A_999 [1, 2] : vector<1x576x1xf32> to vector<1xf32>
    %reduce_sum3A_1001 = vector.shape_cast %reduce_sum3A_1000 : vector<1xf32> to vector<1x1x1xf32>
    %reduce_sum3A_1002 = vector.extract %reduce_sum3A_1001[0, 0, 0] : f32 from vector<1x1x1xf32>
    %reshape3A_1003 = vector.broadcast %reduce_sum3A_1002 : f32 to vector<1x1xf32>
    %eq3A_1004 = arith.constant 0 : i32
    %eq3A_1005 = arith.cmpi eq, %arg0, %eq3A_1004 : i32
    %convert_element_type3A_1006 = arith.extui %eq3A_1005 : i1 to i32
    %cond3A_1007 = arith.constant 0 : i32
    %cond3A_1008 = arith.cmpi ne, %convert_element_type3A_1006, %cond3A_1007 : i32
    scf.if %cond3A_1008 {
      %broadcast_in_dim3A_1021 = arith.constant 0.000000e+00 : f32
      %broadcast_in_dim3A_1022 = vector.broadcast %broadcast_in_dim3A_1021 : f32 to vector<1x1xf32>
      %swap3A_1023 = arith.constant 0 : index
      %swap3A_1024 = arith.constant 0 : index
      %swap3A_1025 = vector.load %arg4[%swap3A_1023, %swap3A_1024] : memref<1x1xf32, #tpu.memory_space<vmem>>, vector<1x1xf32>
      tpu.vector_store %arg4[%swap3A_1023, %swap3A_1024], %broadcast_in_dim3A_1022 {strides = array<i32>} : memref<1x1xf32, #tpu.memory_space<vmem>>, vector<1x1xf32>,
    } else {
    }
    %get3A_1009 = arith.constant 0 : index
    %get3A_1010 = arith.constant 0 : index
    %get3A_1011 = vector.load %arg4[%get3A_1009, %get3A_1010] : memref<1x1xf32, #tpu.memory_space<vmem>>, vector<1x1xf32>
    %add3A_1012 = arith.addf %get3A_1011, %reshape3A_1003 : vector<1x1xf32>
    %swap3A_1013 = arith.constant 0 : index
    %swap3A_1014 = arith.constant 0 : index
    %swap3A_1015 = vector.load %arg4[%swap3A_1013, %swap3A_1014] : memref<1x1xf32, #tpu.memory_space<vmem>>, vector<1x1xf32>
    tpu.vector_store %arg4[%swap3A_1013, %swap3A_1014], %add3A_1012 {strides = array<i32>} : memref<1x1xf32, #tpu.memory_space<vmem>>, vector<1x1xf32>,
    %eq3A_1016 = arith.constant 7 : i32
    %eq3A_1017 = arith.cmpi eq, %arg0, %eq3A_1016 : i32
    %convert_element_type3A_1018 = arith.extui %eq3A_1017 : i1 to i32
    %cond3A_1019 = arith.constant 0 : i32
    %cond3A_1020 = arith.cmpi ne, %convert_element_type3A_1018, %cond3A_1019 : i32
    scf.if %cond3A_1020 {
      %get3A_1021 = arith.constant 0 : index
      %get3A_1022 = arith.constant 0 : index
      %get3A_1023 = vector.load %arg4[%get3A_1021, %get3A_1022] : memref<1x1xf32, #tpu.memory_space<vmem>>, vector<1x1xf32>
      %div3A = arith.constant 1.250000e+00 : f32
      %div3A_1024 = arith.constant 0x49900000 : f32
      %div3A_1025 = arith.divf %div3A, %div3A_1024 : f32
      %mul3A_1026 = vector.broadcast %div3A_1025 : f32 to vector<1x1xf32>
      %mul3A_1027 = arith.mulf %get3A_1023, %mul3A_1026 : vector<1x1xf32>
      %swap3A_1028 = arith.constant 0 : index
      %swap3A_1029 = arith.constant 0 : index
      %swap3A_1030 = vector.load %arg4[%swap3A_1028, %swap3A_1029] : memref<1x1xf32, #tpu.memory_space<vmem>>, vector<1x1xf32>
      tpu.vector_store %arg4[%swap3A_1028, %swap3A_1029], %mul3A_1027 {strides = array<i32>} : memref<1x1xf32, #tpu.memory_space<vmem>>, vector<1x1xf32>,
    } else {
    }
    return
  }
  func.func @transform_0(%arg0: i32) -> (i32, i32) {
    %c0_i32 = arith.constant 0 : i32
    %c0_i32_0 = arith.constant 0 : i32
    return %arg0, %c0_i32 : i32, i32
  }
  func.func @transform_1(%arg0: i32) -> (i32, i32) {
    %c0_i32 = arith.constant 0 : i32
    %c0_i32_0 = arith.constant 0 : i32
    %c0_i32_1 = arith.constant 0 : i32
    return %c0_i32, %c0_i32_0 : i32, i32
  }
  func.func @transform_2(%arg0: i32) -> (i32, i32, i32) {
    %c0_i32 = arith.constant 0 : i32
    %c0_i32_0 = arith.constant 0 : i32
    %c0_i32_1 = arith.constant 0 : i32
    return %arg0, %c0_i32, %c0_i32_0 : i32, i32, i32
  }
  func.func @transform_3(%arg0: i32) -> (i32, i32) {
    %c0_i32 = arith.constant 0 : i32
    %c0_i32_0 = arith.constant 0 : i32
    %c0_i32_1 = arith.constant 0 : i32
    return %c0_i32, %c0_i32_0 : i32, i32
  }
}

</mosaic_0001>

<sc_bundles>
// kernel: kernel.4.cloned.1.call-start
scs
__scs_entry_jumppad:
0x0: {  	(pc) =	sbr.rel $0x88, $3  }
0x1: {  	(tag) =	ssettag $0x0;
	lr =	simm.s32 $0x1  }
0x2: {  	[smem:$0x3F9F] =	sst lr;
	_ =	strace $0xD0000000  }
0x3: {  	_ = 	snop  }
0x4: {  	_ = 	snop  }
0x5: {  	_ = 	snop  }
0x6: {  	_ = 	snop  }
0x7: {  	_ = 	snop  }
__scs_overlays_trampoline_lowered:
0x8: {  	[smem:$0x3FAE] =	sst s0  }
0x9: {  	[smem:$0x3FAF] =	sst s1  }
0xa: {  	[smem:$0x3FB0] =	sst s2  }
0xb: {  	[smem:$0x3FB1] =	sst s3  }
0xc: {  	[smem:$0x3FB2] =	sst s4  }
0xd: {  	[smem:$0x3FB3] =	sst s5  }
0xe: {  	[smem:$0x3FB4] =	sst s6  }
0xf: {  	[smem:$0x3FB5] =	sst s7  }
0x10: {  	[smem:$0x3FB6] =	sst s8  }
0x11: {  	[smem:$0x3FB7] =	sst s9;
	s0 =	simm.s32 @!p0 $0x0  }
0x12: {  	s1 =	sld [smem:$0x3F9D];
	s0 =	simm.s32 @p0 $0x1  }
0x13: {  	[smem:$0x3FB8] =	sst s0;
	s0 =	simm.s32 @!p1 $0x0  }
0x14: {  	s2 =	sld [smem:$0x3F9C];
	s0 =	simm.s32 @p1 $0x1  }
0x15: {  	[smem:$0x3FB9] =	sst s0;
	s0 =	simm.s32 @!p2 $0x0  }
0x16: {  	s3 =	sld [smem:$0x3FDB];
	s0 =	simm.s32 @p2 $0x1  }
0x17: {  	s4 =	simm.s32 $0x1BF5;
	[smem:$0x3FBB] =	sst s0  }
0x18: {  	s0 =	sld [smem:$0x3F9E];
	_ =	swait.ge [sflag:s4], $0x0  }
0x19: {  	s7 =	sld [smem:$0x3F9F]  }
0x1a: {  	s8 =	sadd.s32 $0xFFFFE003, lr  }
0x1b: {  	s9 =	sadd.s32 $0xFFFFFEF7, lr;
	s5 =	simm.s32 $0xFFFFFFFF;
	p2 =	slt.u32 s8, $0xFFFFF086  }
0x1c: {  	p1 =	slt.u32 s9, $0xF7A;
	s5 =	simm.s32 @!p2 $0x0  }
0x1d: {  	s5 =	simm.s32 @p1 $0x1;
	p0 =	seq.s32 s7, s2  }
0x1e: {  	s7 =	smul.u32 @!p0 $0xF7A, s2;
	p2 =	seq.s32 @!p0 s5, $0x0  }
0x1f: {  	s9 =	smul.u32 $0xF7A, s1;
	s8 =	simm.s32 @!p0 $0x1BF5;
	p2 =	por !p2, p0  }
0x20: {  	[sflag:s8] =	ssyncset.s32 @!p0 $0xFFFFF086;
	s6 =	sadd.s32 @!p0 s3, s7;
	s7 =	simm.s32 @!p0 $0x108  }
0x21: {  	s3 =	sadd.s32 s3, s9;
	s6 =	sadd.s32 @!p0 $0x88, s6;
	s7 =	simm.s32 @p2 $0x1082  }
0x22: {  	[simem:s7], [sflag:s8] =	dma.local @!p0 [hbm:s6], $0xF7A  }
0x23: {  	s9 =	sor.u32 $0xD0000000, s2;
	s6 =	simm.s32 $0x108;
	_ =	swait.ge @!p0 [sflag:s8], $0x0  }
0x24: {  	s3 =	sadd.s32 $0x88, s3;
	s6 =	simm.s32 @!p1 $0x1082;
	[sflag:s4] =	ssyncset.s32 $0xFFFFF086  }
0x25: {  	[simem:s6], [sflag:s4] =	dma.local [hbm:s3], $0xF7A  }
0x26: {  	[smem:$0x3F9F] =	sst s1;
	(tag) =	ssettag s2;
	_ =	strace s9  }
0x27: {  	s1 =	sld [smem:$0x3FAF]  }
0x28: {  	s2 =	sld [smem:$0x3FB0]  }
0x29: {  	s4 =	sld [smem:$0x3FB2]  }
0x2a: {  	p0 =	seq.s32 s5, $0x0;
	s5 =	sld [smem:$0x3FB3]  }
0x2b: {  	s6 =	sld [smem:$0x3FB4]  }
0x2c: {  	s7 =	sld [smem:$0x3FB5]  }
0x2d: {  	s3 =	simm.s32 $0x108;
	s8 =	sld [smem:$0x3FB6]  }
0x2e: {  	s3 =	simm.s32 @!p0 $0x1082;
	s9 =	sld [smem:$0x3FB7]  }
0x2f: {  	lr =	sadd.s32 s0, s3;
	s0 =	sld [smem:$0x3FAE]  }
0x30: {  	s3 =	sld [smem:$0x3FB1]  }
0x31: {  	[smem:$0x3FBA] =	sst s10  }
0x32: {  	s10 =	sld [smem:$0x3FB8];
	_ =	sdelay $0x3  }
0x33: {  	p0 =	seq.s32 s10, $0x1;
	s10 =	sld [smem:$0x3FBA];
	_ =	sdelay $0x3  }
0x34: {  	[smem:$0x3FBA] =	sst s10  }
0x35: {  	s10 =	sld [smem:$0x3FB9];
	_ =	sdelay $0x3  }
0x36: {  	p1 =	seq.s32 s10, $0x1;
	s10 =	sld [smem:$0x3FBA];
	_ =	sdelay $0x3  }
0x37: {  	[smem:$0x3FBA] =	sst s10  }
0x38: {  	s10 =	sld [smem:$0x3FBB]  }
0x39: {  	_ = 	snop;
	(pc) =	sbr.ind lr, $3  }
0x3a: {  	_ = 	snop  }
0x3b: {  	_ = 	snop  }
0x3c: {  	p2 =	seq.s32 s10, $0x1;
	s10 =	sld [smem:$0x3FBA]  }
0x3d: {  	_ =	shalt  }
0x3e: {  	_ =	shalt  }
0x3f: {  	_ =	shalt  }
0x40: {  	_ =	shalt  }
0x41: {  	_ =	shalt  }
0x42: {  	_ =	shalt  }
0x43: {  	_ =	shalt  }
0x44: {  	_ =	shalt  }
0x45: {  	_ =	shalt  }
0x46: {  	_ =	shalt  }
0x47: {  	_ =	shalt  }
0x48: {  	_ =	shalt  }
0x49: {  	_ =	shalt  }
0x4a: {  	_ =	shalt  }
0x4b: {  	_ =	shalt  }
0x4c: {  	_ =	shalt  }
0x4d: {  	_ =	shalt  }
0x4e: {  	_ =	shalt  }
0x4f: {  	_ =	shalt  }
0x50: {  	_ =	shalt  }
0x51: {  	_ =	shalt  }
0x52: {  	_ =	shalt  }
0x53: {  	_ =	shalt  }
0x54: {  	_ =	shalt  }
0x55: {  	_ =	shalt  }
0x56: {  	_ =	shalt  }
0x57: {  	_ =	shalt  }
0x58: {  	_ =	shalt  }
0x59: {  	_ =	shalt  }
0x5a: {  	_ =	shalt  }
0x5b: {  	_ =	shalt  }
0x5c: {  	_ =	shalt  }
0x5d: {  	_ =	shalt  }
0x5e: {  	_ =	shalt  }
0x5f: {  	_ =	shalt  }
0x60: {  	_ =	shalt  }
0x61: {  	_ =	shalt  }
0x62: {  	_ =	shalt  }
0x63: {  	_ =	shalt  }
0x64: {  	_ =	shalt  }
0x65: {  	_ =	shalt  }
0x66: {  	_ =	shalt  }
0x67: {  	_ =	shalt  }
0x68: {  	_ =	shalt  }
0x69: {  	_ =	shalt  }
0x6a: {  	_ =	shalt  }
0x6b: {  	_ =	shalt  }
0x6c: {  	_ =	shalt  }
0x6d: {  	_ =	shalt  }
0x6e: {  	_ =	shalt  }
0x6f: {  	_ =	shalt  }
0x70: {  	_ =	shalt  }
0x71: {  	_ =	shalt  }
0x72: {  	_ =	shalt  }
0x73: {  	_ =	shalt  }
0x74: {  	_ =	shalt  }
0x75: {  	_ =	shalt  }
0x76: {  	_ =	shalt  }
0x77: {  	_ =	shalt  }
0x78: {  	_ =	shalt  }
0x79: {  	_ =	shalt  }
0x7a: {  	_ =	shalt  }
0x7b: {  	_ =	shalt  }
0x7c: {  	_ =	shalt  }
0x7d: {  	_ =	shalt  }
0x7e: {  	_ =	shalt  }
0x7f: {  	_ =	shalt  }
0x80: {  	_ =	shalt  }
0x81: {  	_ =	shalt  }
0x82: {  	_ =	shalt  }
0x83: {  	_ =	shalt  }
0x84: {  	_ =	shalt  }
0x85: {  	_ =	shalt  }
0x86: {  	_ =	shalt  }
0x87: {  	_ =	shalt  }
.Lfunc_end0:
.L_simem_size_0:
called_computation_lowered:
.L_overlay_start_0:
0x88: {  	s2 =	sld [smem:$0x3FD9]  }
0x89: {  	s3 =	sld [smem:$0x3FFE];
	_ =	sdelay $0x1  }
0x8a: {  	s1 =	srdreg.scid  }
0x8b: {  	s0 =	sand.u32 $0x1, s1  }
0x8c: {  	s14 =	sshll.u32 s0, $0xA;
	s2 =	sadd.s32 s3, s2  }
0x8d: {  	s2 =	sadd.s32 s2, s14  }
0x8e: {  	[smem:$0x3FC6] =	sst s2  }
0x8f: {  	_ = 	snop  }
0x90: {  	s2 =	sld [smem:$0x3FD0];
	_ =	sdelay $0x2  }
0x91: {  	s4 =	simm.s32 $0xA;
	s5 =	simm.s32 $0x10;
	s15 =	sld [smem:$0x3FC8]  }
0x92: {  	[smem:s5], [sflag:s4] =	dma.local [hbm:s2], $0x1  }
0x93: {  	_ =	swait.eq [sflag:s4], $0x1  }
0x94: {  	[sflag:s4] =	ssyncset.done $0x0  }
0x95: {  	[sflag:s4] =	ssyncadd.s32 $0xFFFFFFFF  }
0x96: {  	s16 =	sld [smem:$0x10];
	(tm) =	ssettm $0x1  }
0x97: {  	s17 =	sld [smem:$0x3FFB];
	_ =	sdelay $0x3  }
0x98: {  	_ =	strace s17  }
0x99: {  	s4 =	sld [smem:$0x3FFC];
	_ =	sdelay $0x3  }
0x9a: {  	_ =	strace s4  }
0x9b: {  	s4 =	sld [smem:$0x3FFD];
	_ =	sdelay $0x3  }
0x9c: {  	_ =	strace s4  }
0x9d: {  	_ =	strace $0x8FFFFFFF  }
0x9e: {  	s18 =	sld [smem:$0x3FDB];
	_ =	sdelay $0x1  }
0x9f: {  	s19 =	simm.s32 $_scs_section_size  }
0xa0: {  	s6 =	simm.s32 $_size__tile_overlayer_lowered;
	s7 =	simm.s32 $_tile_overlayer_lowered  }
0xa1: {  	s22 =	simm.s32 $0x1BFF;
	s21 =	sshll.u32 s7, $0x1;
	s4 =	sadd.s32 s19, s18  }
0xa2: {  	s8 =	simm.s32 $0x0;
	s20 =	sshll.u32 s6, $0x1;
	s6 =	sadd.s32 s21, s4  }
0xa3: {  	[timem:s8], [sflag:s22] =	dma.local [hbm:s6], s20  }
0xa4: {  	_ =	swait.ge [sflag:s22], s20  }
0xa5: {  	s5 =	ssub.s32 $0x0, s20;
	[sflag:s22] =	ssyncset.done $0x0  }
0xa6: {  	[sflag:s22] =	ssyncadd.s32 s5;
	_ =	sdelay $0x1  }
0xa7: {  	s23 =	simm.s32 $0x1B8B  }
0xa8: {  	_ =	swait.ge [sflag:s23], $0x1  }
0xa9: {  	[sflag:s23] =	ssyncset.done $0x0  }
0xaa: {  	s25 =	simm.s32 $0x1B8E;
	s24 =	sld [smem:$0x3FFE];
	[sflag:s23] =	ssyncadd.s32 $0xFFFFFFFF  }
0xab: {  	s26 =	simm.s32 $execute0_lowered;
	[smem:$0x3FD2] =	sst s25  }
0xac: {  	s6 =	sshll.u32 s26, $0x1;
	_ =	strace $0x80000046;
	[dreg:$0x1] =	wrdreg $0xFFFFFFFF  }
0xad: {  	s28 =	simm.s32 $_size_execute0_lowered;
	s4 =	sadd.s32 s4, s6;
	[dreg:$0x0] =	wrdreg $0x0  }
0xae: {  	s6 =	sshll.u32 s28, $0x1;
	[dreg:$0x2] =	wrdreg s4  }
0xaf: {  	[dreg:$0x3] =	wrdreg s6  }
0xb0: {  	[dreg:$0x4] =	wrdreg $0xC0  }
0xb1: {  	_ =	task [dreg:s8], $0x5FFFF  }
0xb2: {  	[dreg:$0x1] =	wrdreg $0xFFFFFFFF  }
0xb3: {  	[dreg:$0x0] =	wrdreg $0x60  }
0xb4: {  	[dreg:$0x2] =	wrdreg s15  }
0xb5: {  	[dreg:$0x3] =	wrdreg s24  }
0xb6: {  	[dreg:$0x4] =	wrdreg s16  }
0xb7: {  	[dreg:$0x5] =	wrdreg $0x9  }
0xb8: {  	_ =	task.clear_ibuf [dreg:s8], $0x6FFFF;
	_ =	strace $0x90000046  }
0xb9: {  	s29 =	simm.s32 $0x9;
	_ =	strace $0x80000048  }
0xba: {  	_ =	swait.ge [sflag:s29], $0x1  }
0xbb: {  	[sflag:s29] =	ssyncadd.s32 $0xFFFFFFFF  }
0xbc: {  	_ =	strace $0x90000048  }
0xbd: {  	_ =	sfence  }
0xbe: {  	s30 =	sld [smem:$0x0];
	_ =	sdelay $0x2  }
0xbf: {  	s31 =	sshll.u32 s1, $0xD;
	s1 =	sshrl.u32 s1, $0x2  }
0xc0: {  	s3 =	sand.u32 $0x4000, s31;
	s1 =	sadd.s32 s1, s30  }
0xc1: {  	s0 =	sor.u32 s3, s0;
	s1 =	sshll.u32 s1, $0x11  }
0xc2: {  	s0 =	sor.u32 s1, s0  }
0xc3: {  	s0 =	sadd.s32 $0x8F2B, s0  }
0xc4: {  	[sflag:s0] =	ssyncadd.remote.s32 $0x1  }
0xc5: {  	_ =	sfence.sel $0xFFFF  }
0xc6: {  	[dreg:$0x0] =	wrdreg $0xFFFFFFFF;
	(pc) =	sbr.abs _section_cstart, $3  }
0xc7: {  	[dreg:$0x1] =	wrdreg $0xFFFFFFFF  }
0xc8: {  	_ =	task.clear_ibuf [dreg:s8], $0x2FFFF;
	_ =	strace $0x9FFFFFFF  }
0xc9: {  	(tm) =	ssettm $0x7FFFFFFF  }
tec
execute0_lowered:
.L_overlay_start_1:
0x0: {  	(tag) =	ssettag $0x1  }
0x1: {  	s1 =	rddreg [dreg:$0x0]  }
0x2: {  	s4 =	rddreg [dreg:$0x1]  }
0x3: {  	s2 =	srdreg.scid;
	s0 =	stileid.u32  }
0x4: {  	s7 =	rddreg [dreg:$0x2];
	s3 =	simm.s32 $0x0;
	s12 =	simm.s32 $0x880  }
0x5: {  	s13 =	simm.s32 $0x1080;
	s14 =	simm.s32 $0x1880;
	s15 =	simm.s32 $0x2080  }
0x6: {  	s16 =	simm.s32 $0x2880;
	s17 =	simm.s32 $0x3080;
	s18 =	simm.s32 $0x3880  }
0x7: {  	s19 =	simm.s32 $0x4080;
	s20 =	simm.s32 $0x4900;
	s21 =	simm.s32 $0x5100  }
0x8: {  	s22 =	simm.s32 $0x5900;
	s23 =	simm.s32 $0x6100;
	s24 =	simm.s32 $0x6900  }
0x9: {  	s28 =	simm.s32 $0x8100;
	s29 =	simm.s32 $0x8900;
	s30 =	simm.s32 $0x1  }
0xa: {  	s5 =	sand.u32 $0x1, s2;
	s6 =	sshll.u32 s0, $0x1;
	s2 =	rddreg [dreg:$0x3]  }
0xb: {  	s31 =	simm.s32 $0x2;
	[smem:$0x7FF] =	sst s3;
	s6 =	sor.u32 s5, s6  }
0xc: {  	s9 =	sadd.s32 $0x600, s4;
	s5 =	ssub.s32 $0x2, s5;
	s8 =	smul.u32 $0x90, s6  }
0xd: {  	_ =	strace $0x80000047;
	s25 =	sshrl.u32 s5, $0x1;
	s6 =	smul.u32 $0x1200, s6  }
0xe: {  	s11 =	ssub.s32 s5, s25;
	s25 =	simm.s32 $0x7100;
	s10 =	sshrl.u32 s8, $0x3  }
0xf: {  	s8 =	sadd.s32 $0x48, s8;
	s6 =	sadd.s32 s7, s6;
	s4 =	sadd.s32 s9, s10  }
0x10: {  	v2 =	vlaneseq.u32;
	s26 =	sshrl.u32 s8, $0x3;
	s8 =	sshll.u32 s8, $0x5;
	s10 =	simm.s32 $0x4880  }
0x11: {  	vm0 =	vmmov $0xffff;
	v1 =	vshrl.u32 v2, $0x3;
	s5 =	sadd.s32 s9, s26;
	s7 =	sadd.s32 s7, s8;
	s8 =	smax.u32 s11, $0x1  }
0x12: {  	v0 =	vand.u32 $0x7, v2;
	v2 =	vor.u32 $0x8, v2;
	v1 =	vmul.u32 $0x8, v1;
	s9 =	simm.s32 $0x3;
	s11 =	simm.s32 $0x80;
	s26 =	simm.s32 $0x7900  }
.LBB2_1:
0x13: {  	[tilespmem:s3], [sflag:$0x3] =	stream.linear.gather [hbm4b:s4+s3], $0x48, $0x38;
	[tilespmem:$0x9100] =	vst v63  }
0x14: {  	_ =	swait.ge [sflag:s9], $0x48  }
0x15: {  	[sflag:s9] =	ssyncset.done $0x0  }
0x16: {  	[sflag:s9] =	ssyncadd.s32 $0xFFFFFFB8  }
0x17: {  	[tilespmem:s10], [sflag:$0x3] =	stream.linear.gather [hbm4b:s5+s3], $0x48, $0x38;
	[tilespmem:$0x9100] =	vst v63  }
0x18: {  	_ =	swait.ge [sflag:s9], $0x48  }
0x19: {  	[sflag:s9] =	ssyncset.done $0x0  }
0x1a: {  	[sflag:s9] =	ssyncadd.s32 $0xFFFFFFB8  }
0x1b: {  	v3 =	vld [tilespmem:$0x0];
	_ =	sdelay $0x4  }
0x1c: {  	v4 =	vshll.u32 v3, $0x1  }
0x1d: {  	v3 =	vand.u32 $0x7, v3;
	v4 =	vand.u32 $0xFFFFFFF0, v4  }
0x1e: {  	v3 =	vor.u32 v3, v4  }
0x1f: {  	v4 =	vperm.xlane v3, v0;
	_ =	sdelay $0x1  }
0x20: {  	v3 =	vperm.xlane v3, v2;
	v4 =	vadd.s32 v1, v4;
	_ =	sdelay $0x1  }
0x21: {  	v3 =	vadd.s32 v1, v3;
	_ =	sdelay $0x2  }
0x22: {  	[tilespmem:s11], [sflag:$0x1] =	stream.indirect_vreg.gather [hbm4b:s1+s3], $0x80, v4, vm0, $0xb8;
	[tilespmem:$0x9100] =	vst v63  }
0x23: {  	_ = 	snop  }
0x24: {  	[tilespmem:s12], [sflag:$0x1] =	stream.indirect_vreg.gather [hbm4b:s1+s3], $0x80, v3, vm0, $0xb8;
	[tilespmem:$0x9100] =	vst v63  }
0x25: {  	v3 =	vld [tilespmem:$0x10];
	_ =	sdelay $0x4  }
0x26: {  	v55 =	vshll.u32 v3, $0x1  }
0x27: {  	v3 =	vand.u32 $0x7, v3;
	v4 =	vand.u32 $0xFFFFFFF0, v55  }
0x28: {  	v3 =	vor.u32 v3, v4  }
0x29: {  	v4 =	vperm.xlane v3, v0;
	_ =	sdelay $0x1  }
0x2a: {  	v3 =	vperm.xlane v3, v2;
	v4 =	vadd.s32 v1, v4;
	_ =	sdelay $0x1  }
0x2b: {  	v3 =	vadd.s32 v1, v3;
	_ =	sdelay $0x2  }
0x2c: {  	[tilespmem:s13], [sflag:$0x1] =	stream.indirect_vreg.gather [hbm4b:s1+s3], $0x80, v4, vm0, $0xb8;
	[tilespmem:$0x9100] =	vst v63  }
0x2d: {  	_ = 	snop  }
0x2e: {  	[tilespmem:s14], [sflag:$0x1] =	stream.indirect_vreg.gather [hbm4b:s1+s3], $0x80, v3, vm0, $0xb8;
	[tilespmem:$0x9100] =	vst v63  }
0x2f: {  	v3 =	vld [tilespmem:$0x20];
	_ =	sdelay $0x4  }
0x30: {  	v56 =	vshll.u32 v3, $0x1  }
0x31: {  	v3 =	vand.u32 $0x7, v3;
	v4 =	vand.u32 $0xFFFFFFF0, v56  }
0x32: {  	v3 =	vor.u32 v3, v4  }
0x33: {  	v4 =	vperm.xlane v3, v0;
	_ =	sdelay $0x1  }
0x34: {  	v3 =	vperm.xlane v3, v2;
	v4 =	vadd.s32 v1, v4;
	_ =	sdelay $0x1  }
0x35: {  	v3 =	vadd.s32 v1, v3;
	_ =	sdelay $0x2  }
0x36: {  	[tilespmem:s15], [sflag:$0x1] =	stream.indirect_vreg.gather [hbm4b:s1+s3], $0x80, v4, vm0, $0xb8;
	[tilespmem:$0x9100] =	vst v63  }
0x37: {  	_ = 	snop  }
0x38: {  	[tilespmem:s16], [sflag:$0x1] =	stream.indirect_vreg.gather [hbm4b:s1+s3], $0x80, v3, vm0, $0xb8;
	[tilespmem:$0x9100] =	vst v63  }
0x39: {  	v3 =	vld [tilespmem:$0x30];
	_ =	sdelay $0x4  }
0x3a: {  	v57 =	vshll.u32 v3, $0x1  }
0x3b: {  	v3 =	vand.u32 $0x7, v3;
	v4 =	vand.u32 $0xFFFFFFF0, v57  }
0x3c: {  	v3 =	vor.u32 v3, v4  }
0x3d: {  	v4 =	vperm.xlane v3, v0;
	_ =	sdelay $0x1  }
0x3e: {  	v3 =	vperm.xlane v3, v2;
	v4 =	vadd.s32 v1, v4;
	_ =	sdelay $0x1  }
0x3f: {  	v3 =	vadd.s32 v1, v3;
	_ =	sdelay $0x2  }
0x40: {  	[tilespmem:s17], [sflag:$0x1] =	stream.indirect_vreg.gather [hbm4b:s1+s3], $0x80, v4, vm0, $0xb8;
	[tilespmem:$0x9100] =	vst v63  }
0x41: {  	_ = 	snop  }
0x42: {  	[tilespmem:s18], [sflag:$0x1] =	stream.indirect_vreg.gather [hbm4b:s1+s3], $0x80, v3, vm0, $0xb8;
	[tilespmem:$0x9100] =	vst v63  }
0x43: {  	v3 =	vld.msk [tilespmem:$0x40], $0xff;
	_ =	sdelay $0x4  }
0x44: {  	v58 =	vshll.u32 v3, $0x1  }
0x45: {  	v3 =	vand.u32 $0x7, v3;
	v4 =	vand.u32 $0xFFFFFFF0, v58  }
0x46: {  	v3 =	vor.u32 v3, v4  }
0x47: {  	v3 =	vperm.xlane v3, v0;
	_ =	sdelay $0x1  }
0x48: {  	v3 =	vadd.s32 v1, v3;
	_ =	sdelay $0x4  }
0x49: {  	[tilespmem:s19], [sflag:$0x1] =	stream.indirect_vreg.gather [hbm4b:s1+s3], $0x80, v3, vm0, $0xb8;
	[tilespmem:$0x9100] =	vst v63  }
0x4a: {  	v3 =	vld [tilespmem:$0x4880];
	_ =	sdelay $0x4  }
0x4b: {  	v59 =	vshll.u32 v3, $0x1  }
0x4c: {  	v3 =	vand.u32 $0x7, v3;
	v4 =	vand.u32 $0xFFFFFFF0, v59  }
0x4d: {  	v3 =	vor.u32 v3, v4  }
0x4e: {  	v4 =	vperm.xlane v3, v0;
	_ =	sdelay $0x1  }
0x4f: {  	v3 =	vperm.xlane v3, v2;
	v4 =	vadd.s32 v1, v4;
	_ =	sdelay $0x1  }
0x50: {  	v3 =	vadd.s32 v1, v3;
	_ =	sdelay $0x2  }
0x51: {  	[tilespmem:s20], [sflag:$0x2] =	stream.indirect_vreg.gather [hbm4b:s1+s3], $0x80, v4, vm0, $0xb8;
	[tilespmem:$0x9100] =	vst v63  }
0x52: {  	_ = 	snop  }
0x53: {  	[tilespmem:s21], [sflag:$0x2] =	stream.indirect_vreg.gather [hbm4b:s1+s3], $0x80, v3, vm0, $0xb8;
	[tilespmem:$0x9100] =	vst v63  }
0x54: {  	v3 =	vld [tilespmem:$0x4890];
	_ =	sdelay $0x4  }
0x55: {  	v60 =	vshll.u32 v3, $0x1  }
0x56: {  	v3 =	vand.u32 $0x7, v3;
	v4 =	vand.u32 $0xFFFFFFF0, v60  }
0x57: {  	v3 =	vor.u32 v3, v4  }
0x58: {  	v4 =	vperm.xlane v3, v0;
	_ =	sdelay $0x1  }
0x59: {  	v3 =	vperm.xlane v3, v2;
	v4 =	vadd.s32 v1, v4;
	_ =	sdelay $0x1  }
0x5a: {  	v3 =	vadd.s32 v1, v3;
	_ =	sdelay $0x2  }
0x5b: {  	[tilespmem:s22], [sflag:$0x2] =	stream.indirect_vreg.gather [hbm4b:s1+s3], $0x80, v4, vm0, $0xb8;
	[tilespmem:$0x9100] =	vst v63  }
0x5c: {  	_ = 	snop  }
0x5d: {  	[tilespmem:s23], [sflag:$0x2] =	stream.indirect_vreg.gather [hbm4b:s1+s3], $0x80, v3, vm0, $0xb8;
	[tilespmem:$0x9100] =	vst v63  }
0x5e: {  	v3 =	vld [tilespmem:$0x48A0];
	_ =	sdelay $0x4  }
0x5f: {  	v61 =	vshll.u32 v3, $0x1  }
0x60: {  	v3 =	vand.u32 $0x7, v3;
	v4 =	vand.u32 $0xFFFFFFF0, v61  }
0x61: {  	v3 =	vor.u32 v3, v4  }
0x62: {  	v4 =	vperm.xlane v3, v0;
	_ =	sdelay $0x1  }
0x63: {  	v3 =	vperm.xlane v3, v2;
	v4 =	vadd.s32 v1, v4;
	_ =	sdelay $0x1  }
0x64: {  	v3 =	vadd.s32 v1, v3;
	_ =	sdelay $0x2  }
0x65: {  	[tilespmem:s24], [sflag:$0x2] =	stream.indirect_vreg.gather [hbm4b:s1+s3], $0x80, v4, vm0, $0xb8;
	[tilespmem:$0x9100] =	vst v63  }
0x66: {  	_ = 	snop  }
0x67: {  	[tilespmem:s25], [sflag:$0x2] =	stream.indirect_vreg.gather [hbm4b:s1+s3], $0x80, v3, vm0, $0xb8;
	[tilespmem:$0x9100] =	vst v63  }
0x68: {  	v3 =	vld [tilespmem:$0x48B0];
	_ =	sdelay $0x4  }
0x69: {  	v62 =	vshll.u32 v3, $0x1  }
0x6a: {  	v3 =	vand.u32 $0x7, v3;
	v4 =	vand.u32 $0xFFFFFFF0, v62  }
0x6b: {  	v3 =	vor.u32 v3, v4  }
0x6c: {  	v4 =	vperm.xlane v3, v0;
	_ =	sdelay $0x1  }
0x6d: {  	v3 =	vperm.xlane v3, v2;
	v4 =	vadd.s32 v1, v4;
	_ =	sdelay $0x1  }
0x6e: {  	v3 =	vadd.s32 v1, v3;
	_ =	sdelay $0x2  }
0x6f: {  	[tilespmem:s26], [sflag:$0x2] =	stream.indirect_vreg.gather [hbm4b:s1+s3], $0x80, v4, vm0, $0xb8;
	[tilespmem:$0x9100] =	vst v63  }
0x70: {  	_ = 	snop  }
0x71: {  	[tilespmem:s28], [sflag:$0x2] =	stream.indirect_vreg.gather [hbm4b:s1+s3], $0x80, v3, vm0, $0xb8;
	[tilespmem:$0x9100] =	vst v63  }
0x72: {  	v3 =	vld.msk [tilespmem:$0x48C0], $0xff;
	_ =	sdelay $0x4  }
0x73: {  	v63 =	vshll.u32 v3, $0x1  }
0x74: {  	v3 =	vand.u32 $0x7, v3;
	v4 =	vand.u32 $0xFFFFFFF0, v63  }
0x75: {  	v3 =	vor.u32 v3, v4  }
0x76: {  	v3 =	vperm.xlane v3, v0;
	_ =	sdelay $0x1  }
0x77: {  	v3 =	vadd.s32 v1, v3;
	_ =	sdelay $0x4  }
0x78: {  	[tilespmem:s29], [sflag:$0x2] =	stream.indirect_vreg.gather [hbm4b:s1+s3], $0x80, v3, vm0, $0xb8;
	[tilespmem:$0x9100] =	vst v63  }
0x79: {  	_ =	swait.ge [sflag:s30], $0x4800  }
0x7a: {  	[sflag:s30] =	ssyncset.done $0x0  }
0x7b: {  	[sflag:s30] =	ssyncadd.s32 $0xFFFFB800  }
0x7c: {  	[hbm4b:s6+s3] =	stream.linear.scatter [tilespmem:s11], [sflag:$0x3], $0x4800, $0x38;
	[tilespmem:$0x9100] =	vst v63  }
0x7d: {  	_ =	swait.ge [sflag:s9], $0x4800  }
0x7e: {  	[sflag:s9] =	ssyncset.done $0x0  }
0x7f: {  	[sflag:s9] =	ssyncadd.s32 $0xFFFFB800  }
0x80: {  	_ =	swait.ge [sflag:s31], $0x4800  }
0x81: {  	p0 =	sne.s32 s8, $0x1;
	[sflag:s31] =	ssyncset.done $0x0  }
.Ltmp0:
0x82: {  	[sflag:s31] =	ssyncadd.s32 $0xFFFFB800;
	(pc) =	sbr.rel @p0 .LBB2_1-.Ltmp0, $4  }
0x83: {  	[hbm4b:s7+s3] =	stream.linear.scatter [tilespmem:s20], [sflag:$0x3], $0x4800, $0x38;
	[tilespmem:$0x9100] =	vst v63  }
0x84: {  	_ =	swait.ge [sflag:s9], $0x4800  }
0x85: {  	[sflag:s9] =	ssyncset.done $0x0  }
0x86: {  	s8 =	sadd.s32 $0xFFFFFFFF, s8;
	[sflag:s9] =	ssyncadd.s32 $0xFFFFB800  }
0x87: {  	_ =	sfence.sel $0x180000  }
0x88: {  	[bflag:$0x0] =	sbarrier.arrive $0xFFFF  }
0x89: {  	p0 =	sne.s32 s0, $0x0;
	_ =	strace $0x90000047  }
0x8a: {  	s0 =	sadd.s32 @!p0 $0x100000, s2;
	[bflag:$0x2] =	sbarrier.arrive $0xFFFF  }
0x8b: {  	[sflag:s0] =	ssyncadd.tile.s32 @!p0 $0x1;
	_ =	shalt  }
.Lfunc_end2:
_tile_overlayer_lowered:
.L_overlay_start_2:
0x8c: {  	(tag) =	ssettag $0x2  }
0x8d: {  	s0 =	rddreg [dreg:$0x0];
	s2 =	stileid.u32  }
0x8e: {  	s1 =	rddreg [dreg:$0x1];
	p0 =	sne.s32 s2, $0x0  }
0x8f: {  	s3 =	rddreg [dreg:$0x2];
	[bflag:$0x3] =	sbarrier.arrive $0xFFFF;
	s2 =	simm.s32 @!p0 $0x1C03  }
0x90: {  	[timem:s3], [sflag:s2] =	dma.local @!p0 [hbm:s0], s1  }
0x91: {  	s0 =	simm.s32 @!p0 $0x3  }
0x92: {  	_ =	swait.ge @!p0 [sflag:s0], s1  }
0x93: {  	s1 =	ssub.s32 @!p0 $0x0, s1;
	[sflag:s0] =	ssyncset.done @!p0 $0x0  }
0x94: {  	[sflag:s0] =	ssyncadd.s32 @!p0 s1  }
0x95: {  	[bflag:$0x3] =	sbarrier.arrive $0xFFFF  }
0x96: {  	_ =	shalt  }

</sc_bundles>
